<compile_context>
chip_gen: v7x
topology: tpu7x:2x2x1
jax: 0.10.2.dev20260603
libtpu: 0.0.44.dev20260713+nightly
codegen_flags: <defaults>
</compile_context>

<pallas_src>
import functools

import jax
import jax.numpy as jnp
from jax import lax
from jax.experimental import pallas as pl
from jax.experimental.pallas import tpu as pltpu
from jax.experimental.pallas import tpu_sc as plsc

N = 100000
E = 1600000
G = 256
H = 16

NC = 2
NSUBC = 16
NW = NC * NSUBC

PER_W = 51200
E_PAD = NW * PER_W
CHUNK = 2048
NCH = PER_W // CHUNK
SUB = 128
NSTREAM = CHUNK // SUB

NS = 100352
RPT = NS // NSUBC

BR = 1024
BN = 2000

_SC_PARAMS = pltpu.CompilerParams(use_tc_tiling_on_sc=False)


def _sc_mesh():
    return plsc.VectorSubcoreMesh(core_axis_name="c", subcore_axis_name="s",
                                  num_cores=NC, num_subcores=NSUBC)


def _sc_gather_body(src_hbm, dst_hbm, xp_hbm, es_hbm, ed_hbm,
                    sidx, didx, bs, bd, sem):
    cid = lax.axis_index("c")
    sid = lax.axis_index("s")
    wid = sid * NC + cid

    def chunk(ci, carry):
        ebase = wid * PER_W + ci * CHUNK
        pltpu.sync_copy(src_hbm.at[pl.ds(ebase, CHUNK)], sidx)
        pltpu.sync_copy(dst_hbm.at[pl.ds(ebase, CHUNK)], didx)
        h1 = pltpu.async_copy(xp_hbm.at[sidx], bs, sem)
        h2 = pltpu.async_copy(xp_hbm.at[didx], bd, sem)
        h1.wait()
        h2.wait()
        pltpu.sync_copy(bs, es_hbm.at[pl.ds(ebase, CHUNK)])
        pltpu.sync_copy(bd, ed_hbm.at[pl.ds(ebase, CHUNK)])
        return carry

    lax.fori_loop(0, NCH, chunk, 0)


@functools.cache
def _sc_gather():
    return pl.kernel(
        _sc_gather_body,
        out_type=[
            jax.ShapeDtypeStruct((E_PAD, H), jnp.float32),
            jax.ShapeDtypeStruct((E_PAD, H), jnp.float32),
        ],
        mesh=_sc_mesh(),
        compiler_params=_SC_PARAMS,
        scratch_types=[
            pltpu.VMEM((CHUNK,), jnp.int32),
            pltpu.VMEM((CHUNK,), jnp.int32),
            pltpu.VMEM((CHUNK, H), jnp.float32),
            pltpu.VMEM((CHUNK, H), jnp.float32),
            pltpu.SemaphoreType.DMA,
        ],
    )


def _mlp_body(es_ref, ed_ref, w1i_ref, w1j_ref, wc_ref, ssel_ref, b1_ref,
              w2_ref, b2_ref, out_ref):
    eg = es_ref[...]
    dg = ed_ref[...]
    rel = eg - dg
    d2 = jnp.dot(rel * rel, ssel_ref[...], preferred_element_type=jnp.float32)
    dist = jnp.sqrt(d2)
    pre = (jnp.dot(dg, w1i_ref[...], preferred_element_type=jnp.float32)
           + jnp.dot(eg, w1j_ref[...], preferred_element_type=jnp.float32)
           + jnp.dot(dist, wc_ref[...], preferred_element_type=jnp.float32)
           + b1_ref[...])
    h1 = pre * jax.nn.sigmoid(pre)
    out_ref[...] = (jnp.dot(h1, w2_ref[...],
                            preferred_element_type=jnp.float32)
                    + b2_ref[...])


def _edge_mlp(esg, edg, w1i, w1j, wc, ssel, b1t, w2bd, b2t):
    grid = (E_PAD // 8 // BR,)
    return pl.pallas_call(
        _mlp_body,
        grid=grid,
        in_specs=[
            pl.BlockSpec((BR, 128), lambda i: (i, 0)),
            pl.BlockSpec((BR, 128), lambda i: (i, 0)),
            pl.BlockSpec((128, 128), lambda i: (0, 0)),
            pl.BlockSpec((128, 128), lambda i: (0, 0)),
            pl.BlockSpec((8, 128), lambda i: (0, 0)),
            pl.BlockSpec((128, 8), lambda i: (0, 0)),
            pl.BlockSpec((1, 128), lambda i: (0, 0)),
            pl.BlockSpec((128, 128), lambda i: (0, 0)),
            pl.BlockSpec((1, 128), lambda i: (0, 0)),
        ],
        out_specs=pl.BlockSpec((BR, 128), lambda i: (i, 0)),
        out_shape=jax.ShapeDtypeStruct((E_PAD // 8, 128), jnp.float32),
    )(esg, edg, w1i, w1j, wc, ssel, b1t, w2bd, b2t)


SCHUNK = 1024
SNCH = PER_W // SCHUNK
SNSTREAM = SCHUNK // SUB


def _sc_scatter_body(msg_hbm, dstT_hbm, zs_hbm, sums_hbm,
                     msgv, didx, acc, sem):
    cid = lax.axis_index("c")
    sid = lax.axis_index("s")
    wid = sid * NC + cid

    pltpu.sync_copy(zs_hbm, acc.at[pl.ds(sid * RPT, RPT)])
    plsc.subcore_barrier()

    def chunk(ci, carry):
        ebase = wid * PER_W + ci * SCHUNK
        pltpu.sync_copy(msg_hbm.at[pl.ds(ebase, SCHUNK)], msgv)
        pltpu.sync_copy(dstT_hbm.at[pl.ds(ebase, SCHUNK)], didx)
        pltpu.sync_copy(msgv, acc.at[didx], add=True)
        return carry

    lax.fori_loop(0, SNCH, chunk, 0)
    plsc.subcore_barrier()
    pltpu.sync_copy(acc.at[pl.ds(sid * RPT, RPT)],
                    sums_hbm.at[cid, pl.ds(sid * RPT, RPT)])


@functools.cache
def _sc_scatter():
    return pl.kernel(
        _sc_scatter_body,
        out_type=[jax.ShapeDtypeStruct((NC, NS, H), jnp.float32)],
        mesh=_sc_mesh(),
        compiler_params=_SC_PARAMS,
        scratch_types=[
            pltpu.VMEM((SCHUNK, H), jnp.float32),
            pltpu.VMEM((SCHUNK,), jnp.int32),
            pltpu.VMEM_SHARED((NS, H), jnp.float32),
            pltpu.SemaphoreType.DMA,
        ],
    )


CCHUNK = 1024
CNCH = PER_W // CCHUNK
CNSTREAM = CCHUNK // SUB


def _sc_count_body(dstT_hbm, ones_hbm, zc_hbm, cnts_hbm,
                   didx, onesv, accc, sem):
    cid = lax.axis_index("c")
    sid = lax.axis_index("s")
    wid = sid * NC + cid

    pltpu.sync_copy(zc_hbm, accc.at[pl.ds(sid * RPT, RPT)])
    pltpu.sync_copy(ones_hbm, onesv)
    plsc.subcore_barrier()

    def outer(ci, carry):
        ebase = wid * PER_W + ci * CCHUNK
        pltpu.sync_copy(dstT_hbm.at[pl.ds(ebase, CCHUNK)], didx)
        pltpu.sync_copy(onesv, accc.at[didx], add=True)
        return carry

    lax.fori_loop(0, CNCH, outer, 0)
    plsc.subcore_barrier()
    pltpu.sync_copy(accc.at[pl.ds(sid * RPT, RPT)],
                    cnts_hbm.at[cid, pl.ds(sid * RPT, RPT)])


@functools.cache
def _sc_count():
    return pl.kernel(
        _sc_count_body,
        out_type=[jax.ShapeDtypeStruct((NC, NS, H), jnp.float32)],
        mesh=_sc_mesh(),
        compiler_params=_SC_PARAMS,
        scratch_types=[
            pltpu.VMEM((CCHUNK,), jnp.int32),
            pltpu.VMEM((CCHUNK, H), jnp.float32),
            pltpu.VMEM_SHARED((NS, H), jnp.float32),
            pltpu.SemaphoreType.DMA,
        ],
    )


def _final_body(s0_ref, s1_ref, c0_ref, c1_ref, batch_ref, wp_ref, bp_ref,
                wz_ref, bz8_ref, s_ref, z_ref):
    tot = s0_ref[...] + s1_ref[...]
    cnt = jnp.maximum(c0_ref[...] + c1_ref[...], 1.0)
    h = jnp.maximum(tot / cnt, 0.0)
    logits = jnp.dot(h, wp_ref[...], preferred_element_type=jnp.float32) \
        + bp_ref[...]
    mx = jnp.max(logits, axis=1, keepdims=True)
    ex = jnp.exp(logits - mx)
    s = ex / jnp.sum(ex, axis=1, keepdims=True)
    s_ref[...] = s
    hz = jnp.dot(h, wz_ref[...], preferred_element_type=jnp.float32)
    wz8 = jnp.concatenate([s[:, 0:1] * hz, s[:, 1:2] * hz], axis=1)
    oh = (batch_ref[...] == lax.broadcasted_iota(jnp.int32, (BN, G), 1)
          ).astype(jnp.float32)
    part = lax.dot_general(oh, wz8, (((0,), (0,)), ((), ())),
                           preferred_element_type=jnp.float32)

    @pl.when(pl.program_id(0) == 0)
    def _():
        z_ref[...] = jnp.broadcast_to(bz8_ref[...], (G, 8))

    z_ref[...] += part


def _finalize(s0, s1, c0, c1, batchc, wp, bpr, wz, bz8):
    grid = (N // BN,)
    return pl.pallas_call(
        _final_body,
        grid=grid,
        in_specs=[
            pl.BlockSpec((BN, H), lambda i: (i, 0)),
            pl.BlockSpec((BN, H), lambda i: (i, 0)),
            pl.BlockSpec((BN, 1), lambda i: (i, 0)),
            pl.BlockSpec((BN, 1), lambda i: (i, 0)),
            pl.BlockSpec((BN, 1), lambda i: (i, 0)),
            pl.BlockSpec((H, 2), lambda i: (0, 0)),
            pl.BlockSpec((1, 2), lambda i: (0, 0)),
            pl.BlockSpec((H, 4), lambda i: (0, 0)),
            pl.BlockSpec((1, 8), lambda i: (0, 0)),
        ],
        out_specs=[
            pl.BlockSpec((BN, 2), lambda i: (i, 0)),
            pl.BlockSpec((G, 8), lambda i: (0, 0)),
        ],
        out_shape=[
            jax.ShapeDtypeStruct((N, 2), jnp.float32),
            jax.ShapeDtypeStruct((G, 8), jnp.float32),
        ],
    )(s0, s1, c0, c1, batchc, wp, bpr, wz, bz8)


def kernel(x, pos, edge_index, batch, W1, b1, W2, b2, Wp, bp, Wz, bz):
    pad = E_PAD - E
    src = edge_index[0]
    dst = edge_index[1]
    zpad = jnp.zeros((pad,), jnp.int32)
    srcp = jnp.concatenate([src, zpad])
    dstp = jnp.concatenate([dst, zpad])
    dstT = jnp.concatenate([dst, jnp.full((pad,), N, jnp.int32)])
    xp = jnp.concatenate([x, pos, jnp.zeros((N, 9), jnp.float32)],
                         axis=1)

    es, ed = _sc_gather()(srcp, dstp, xp)
    esg = es.reshape(E_PAD // 8, 128)
    edg = ed.reshape(E_PAD // 8, 128)

    eye = jnp.eye(8, dtype=jnp.float32)
    zeros12 = jnp.zeros((12, H), jnp.float32)
    w1i = jnp.kron(eye, jnp.concatenate([W1[0:4], zeros12], axis=0))
    w1j = jnp.kron(eye, jnp.concatenate([W1[4:8], zeros12], axis=0))
    wc = jnp.kron(eye, W1[8:9])
    sv = jnp.zeros((16, 1), jnp.float32).at[4:7].set(1.0)
    ssel = jnp.kron(eye, sv)
    b1t = jnp.tile(b1, 8).reshape(1, 128)
    w2bd = jnp.kron(eye, W2)
    b2t = jnp.tile(b2, 8).reshape(1, 128)

    msgg = _edge_mlp(esg, edg, w1i, w1j, wc, ssel, b1t, w2bd, b2t)
    msg = msgg.reshape(E_PAD, H)

    ones = jnp.ones((CCHUNK, H), jnp.float32)
    zs = jnp.zeros((RPT, H), jnp.float32)
    zc = jnp.zeros((RPT, H), jnp.float32)
    (sums,) = _sc_scatter()(msg, dstT, zs)
    (cnts,) = _sc_count()(dstT, ones, zc)

    s, z8 = _finalize(sums[0, :N], sums[1, :N],
                      cnts[0, :N, 0:1], cnts[1, :N, 0:1],
                      batch.reshape(N, 1),
                      Wp, bp.reshape(1, 2), Wz,
                      jnp.concatenate([bz, bz]).reshape(1, 8))
    z = z8.reshape(G, 2, 4)
    return (z, s)

# --- scband reference (transcript-rebuilt; emitter-appended) ---
"""Pipeline reference for scband-discovery-net-28776280883565 (READ-ONLY COPY).

The authoritative reference and input builder live on the scoring server;
editing this copy changes nothing except your own understanding.
"""

import jax, jax.numpy as jnp
import numpy as np

N = 100000   # nodes
E = 1600000  # edges
G = 256      # graphs in batch
K = 2        # k (pool clusters)
D = 4        # particle_latent_dim
H = 16       # EquiLayer output dim


def setup_inputs(seed: int = 0) -> dict:
    key = jax.random.key(seed)
    ks = jax.random.split(key, 12)
    x = jax.random.normal(ks[0], (N, 4), dtype=jnp.float32)
    pos = jax.random.normal(ks[1], (N, 3), dtype=jnp.float32)
    edge_index = jax.random.randint(ks[2], (2, E), 0, N, dtype=jnp.int32)
    batch = jnp.sort(jax.random.randint(ks[3], (N,), 0, G, dtype=jnp.int32))
    # EquiLayer.f: Linear(4*2+1 -> 16), SiLU, Linear(16 -> 16)
    W1 = jax.random.normal(ks[4], (9, H), dtype=jnp.float32) * (1.0 / np.sqrt(9))
    b1 = jnp.zeros((H,), dtype=jnp.float32)
    W2 = jax.random.normal(ks[5], (H, H), dtype=jnp.float32) * (1.0 / np.sqrt(H))
    b2 = jnp.zeros((H,), dtype=jnp.float32)
    # pool: Linear(16 -> k)
    Wp = jax.random.normal(ks[6], (H, K), dtype=jnp.float32) * (1.0 / np.sqrt(H))
    bp = jnp.zeros((K,), dtype=jnp.float32)
    # to_z: Linear(16 -> particle_latent_dim)
    Wz = jax.random.normal(ks[7], (H, D), dtype=jnp.float32) * (1.0 / np.sqrt(H))
    bz = jnp.zeros((D,), dtype=jnp.float32)
    return {"x": x, "pos": pos, "edge_index": edge_index, "batch": batch,
            "W1": W1, "b1": b1, "W2": W2, "b2": b2,
            "Wp": Wp, "bp": bp, "Wz": Wz, "bz": bz}


def silu(v):
    return v * jax.nn.sigmoid(v)


def reference(x, pos, edge_index, batch, W1, b1, W2, b2, Wp, bp, Wz, bz):
    # DiscoveryNet.encode(x, pos, edge_index, batch)
    src = edge_index[0]
    dst = edge_index[1]
    # EquiLayer.forward: rel_pos / dist
    rel_pos = pos[src] - pos[dst]
    dist = jnp.sqrt(jnp.sum(rel_pos * rel_pos, axis=-1, keepdims=True))
    # message(x_i, x_j, dist): x_i = x[dst] (target), x_j = x[src] (source)
    x_i = jnp.take(x, dst, axis=0)
    x_j = jnp.take(x, src, axis=0)
    m = jnp.concatenate([x_i, x_j, dist], axis=-1)  # [E, 9]
    h1 = silu(m @ W1 + b1)
    msg = h1 @ W2 + b2  # [E, 16]
    # aggr='mean' over destination nodes
    msum = jax.ops.segment_sum(msg, dst, num_segments=N)
    cnt = jax.ops.segment_sum(jnp.ones((msg.shape[0], 1), dtype=msg.dtype), dst, num_segments=N)
    h = msum / jnp.maximum(cnt, 1.0)
    h = jax.nn.relu(h)  # [N, 16]
    # soft cluster assignment
    s = jax.nn.softmax(h @ Wp + bp, axis=-1)  # [N, k]
    # pooled_h = scatter(s.unsqueeze(-1) * h.unsqueeze(1), batch, dim=0, reduce='sum')
    weighted = s[:, :, None] * h[:, None, :]  # [N, k, 16]
    pooled_h = jax.ops.segment_sum(weighted, batch, num_segments=G)  # [G, k, 16]
    z = pooled_h @ Wz + bz  # [G, k, D]
    return (z, s)


if False:  # reference __main__ guard neutralized (emitter)
    inp = setup_inputs()
    z, s = reference(**inp)
    print(z.shape, s.shape)

if __name__ == "__main__":
    import jax
    _d = setup_inputs()
    print(jax.jit(kernel)(*tuple(_d.values())))

</pallas_src>

<mosaic_0001>
#map = affine_map<(d0, d1) -> (0)>
#map1 = affine_map<(d0, d1) -> (0, 0)>
module attributes {stable_mosaic.version = 14 : i64} {
  func.func @_sc_gather_body(%arg0: i32, %arg1: i32, %arg2: memref<1638400xi32, #tpu.memory_space<hbm>>, %arg3: memref<1638400xi32, #tpu.memory_space<hbm>>, %arg4: memref<100000x16xf32, #tpu.memory_space<hbm>>, %arg5: memref<1638400x16xf32, #tpu.memory_space<hbm>>, %arg6: memref<1638400x16xf32, #tpu.memory_space<hbm>>, %arg7: memref<2048xi32, #tpu.memory_space<vmem>>, %arg8: memref<2048xi32, #tpu.memory_space<vmem>>, %arg9: memref<2048x16xf32, #tpu.memory_space<vmem>>, %arg10: memref<2048x16xf32, #tpu.memory_space<vmem>>, %arg11: memref<!tpu.dma_semaphore, #tpu.memory_space<semaphore_mem>>) attributes {dimension_semantics = [#tpu.dimension_semantics<core_parallel>, #tpu.dimension_semantics<subcore_parallel>], iteration_bounds = array<i64: 2, 16>, scalar_prefetch = 0 : i64, scratch_operands = 5 : i64, tpu.core_type = #tpu.core_type<sc_vector_subcore>, window_params = [{transform_indices = #map}, {transform_indices = #map}, {transform_indices = #map1}, {transform_indices = #map1}, {transform_indices = #map1}]} {
    %mul3A = arith.constant 2 : i32
    %mul3A_0 = arith.muli %arg1, %mul3A : i32
    %add3A = arith.addi %mul3A_0, %arg0 : i32
    %scan3A = arith.constant 0 : i32
    %scan3A_1 = arith.constant 0 : i32
    %scan3A_2 = arith.constant 25 : i32
    %scan3A_3 = arith.addi %scan3A_1, %scan3A_2 : i32
    %scan3A_4 = arith.constant 1 : i32
    scf.for %scan3A_6 = %scan3A_1 to %scan3A_3 step %scan3A_4  : i32 {
      %mul3A_7 = arith.constant 51200 : i32
      %mul3A_8 = arith.muli %add3A, %mul3A_7 : i32
      %mul3A_9 = arith.constant 2048 : i32
      %mul3A_10 = arith.muli %scan3A_6, %mul3A_9 : i32
      %add3A_11 = arith.addi %mul3A_8, %mul3A_10 : i32
      "tpu.region"() ({
        %run_scoped3A = tpu.sem_alloc : memref<!tpu.dma_semaphore, #tpu.memory_space<semaphore_mem>>
        %dma_start3A_22 = tpu.memref_slice %arg2[%add3A_11] : memref<1638400xi32, #tpu.memory_space<hbm>> -> memref<2048xi32, #tpu.memory_space<hbm>>
        %dma_start3A_23 = tpu.memref_slice %arg2[%add3A_11] : memref<1638400xi32, #tpu.memory_space<hbm>> -> memref<2048xi32, #tpu.memory_space<hbm>>
        tpu.enqueue_dma source(%dma_start3A_23 : memref<2048xi32, #tpu.memory_space<hbm>>) target(%arg7 : memref<2048xi32, #tpu.memory_space<vmem>>) target_semaphore(%run_scoped3A : memref<!tpu.dma_semaphore, #tpu.memory_space<semaphore_mem>>)
        %dma_wait3A_24 = tpu.memref_slice %arg2[%add3A_11] : memref<1638400xi32, #tpu.memory_space<hbm>> -> memref<2048xi32, #tpu.memory_space<hbm>>
        %dma_wait3A_25 = tpu.memref_slice %arg2[%add3A_11] : memref<1638400xi32, #tpu.memory_space<hbm>> -> memref<2048xi32, #tpu.memory_space<hbm>>
        tpu.wait_dma2 semaphore(%run_scoped3A : memref<!tpu.dma_semaphore, #tpu.memory_space<semaphore_mem>>) src(%dma_wait3A_25 : memref<2048xi32, #tpu.memory_space<hbm>>) dst(%arg7 : memref<2048xi32, #tpu.memory_space<vmem>>)
        tpu.yield
      }) : () -> ()
      "tpu.region"() ({
        %run_scoped3A = tpu.sem_alloc : memref<!tpu.dma_semaphore, #tpu.memory_space<semaphore_mem>>
        %dma_start3A_22 = tpu.memref_slice %arg3[%add3A_11] : memref<1638400xi32, #tpu.memory_space<hbm>> -> memref<2048xi32, #tpu.memory_space<hbm>>
        %dma_start3A_23 = tpu.memref_slice %arg3[%add3A_11] : memref<1638400xi32, #tpu.memory_space<hbm>> -> memref<2048xi32, #tpu.memory_space<hbm>>
        tpu.enqueue_dma source(%dma_start3A_23 : memref<2048xi32, #tpu.memory_space<hbm>>) target(%arg8 : memref<2048xi32, #tpu.memory_space<vmem>>) target_semaphore(%run_scoped3A : memref<!tpu.dma_semaphore, #tpu.memory_space<semaphore_mem>>)
        %dma_wait3A_24 = tpu.memref_slice %arg3[%add3A_11] : memref<1638400xi32, #tpu.memory_space<hbm>> -> memref<2048xi32, #tpu.memory_space<hbm>>
        %dma_wait3A_25 = tpu.memref_slice %arg3[%add3A_11] : memref<1638400xi32, #tpu.memory_space<hbm>> -> memref<2048xi32, #tpu.memory_space<hbm>>
        tpu.wait_dma2 semaphore(%run_scoped3A : memref<!tpu.dma_semaphore, #tpu.memory_space<semaphore_mem>>) src(%dma_wait3A_25 : memref<2048xi32, #tpu.memory_space<hbm>>) dst(%arg8 : memref<2048xi32, #tpu.memory_space<vmem>>)
        tpu.yield
      }) : () -> ()
      %dma_start3A = arith.constant 0 : i32
      %dma_start3A_12 = arith.constant 0 : i32
      %dma_start3A_13 = tpu.memref_slice %arg4[%dma_start3A, %dma_start3A_12] : memref<100000x16xf32, #tpu.memory_space<hbm>> -> memref<100000x16xf32, #tpu.memory_space<hbm>>
      tpu.enqueue_indirect_dma source(%dma_start3A_13 : memref<100000x16xf32, #tpu.memory_space<hbm>>) target(%arg9 : memref<2048x16xf32, #tpu.memory_space<vmem>>) offsets(%arg7 : memref<2048xi32, #tpu.memory_space<vmem>>) semaphore(%arg11 : memref<!tpu.dma_semaphore, #tpu.memory_space<semaphore_mem>>)
      %dma_start3A_14 = arith.constant 0 : i32
      %dma_start3A_15 = arith.constant 0 : i32
      %dma_start3A_16 = tpu.memref_slice %arg4[%dma_start3A_14, %dma_start3A_15] : memref<100000x16xf32, #tpu.memory_space<hbm>> -> memref<100000x16xf32, #tpu.memory_space<hbm>>
      tpu.enqueue_indirect_dma source(%dma_start3A_16 : memref<100000x16xf32, #tpu.memory_space<hbm>>) target(%arg10 : memref<2048x16xf32, #tpu.memory_space<vmem>>) offsets(%arg8 : memref<2048xi32, #tpu.memory_space<vmem>>) semaphore(%arg11 : memref<!tpu.dma_semaphore, #tpu.memory_space<semaphore_mem>>)
      %dma_wait3A = arith.constant 0 : i32
      %dma_wait3A_17 = arith.constant 0 : i32
      %dma_wait3A_18 = tpu.memref_slice %arg4[%dma_wait3A, %dma_wait3A_17] : memref<100000x16xf32, #tpu.memory_space<hbm>> -> memref<100000x16xf32, #tpu.memory_space<hbm>>
      tpu.wait_indirect_dma semaphore(%arg11 : memref<!tpu.dma_semaphore, #tpu.memory_space<semaphore_mem>>) src(%dma_wait3A_18 : memref<100000x16xf32, #tpu.memory_space<hbm>>) dst(%arg9 : memref<2048x16xf32, #tpu.memory_space<vmem>>)
      %dma_wait3A_19 = arith.constant 0 : i32
      %dma_wait3A_20 = arith.constant 0 : i32
      %dma_wait3A_21 = tpu.memref_slice %arg4[%dma_wait3A_19, %dma_wait3A_20] : memref<100000x16xf32, #tpu.memory_space<hbm>> -> memref<100000x16xf32, #tpu.memory_space<hbm>>
      tpu.wait_indirect_dma semaphore(%arg11 : memref<!tpu.dma_semaphore, #tpu.memory_space<semaphore_mem>>) src(%dma_wait3A_21 : memref<100000x16xf32, #tpu.memory_space<hbm>>) dst(%arg10 : memref<2048x16xf32, #tpu.memory_space<vmem>>)
      "tpu.region"() ({
        %run_scoped3A = tpu.sem_alloc : memref<!tpu.dma_semaphore, #tpu.memory_space<semaphore_mem>>
        %dma_start3A_22 = arith.constant 0 : i32
        %dma_start3A_23 = tpu.memref_slice %arg5[%add3A_11, %dma_start3A_22] : memref<1638400x16xf32, #tpu.memory_space<hbm>> -> memref<2048x16xf32, #tpu.memory_space<hbm>>
        %dma_start3A_24 = arith.constant 0 : i32
        %dma_start3A_25 = tpu.memref_slice %arg5[%add3A_11, %dma_start3A_24] : memref<1638400x16xf32, #tpu.memory_space<hbm>> -> memref<2048x16xf32, #tpu.memory_space<hbm>>
        tpu.enqueue_dma source(%arg9 : memref<2048x16xf32, #tpu.memory_space<vmem>>) target(%dma_start3A_25 : memref<2048x16xf32, #tpu.memory_space<hbm>>) target_semaphore(%run_scoped3A : memref<!tpu.dma_semaphore, #tpu.memory_space<semaphore_mem>>)
        %dma_wait3A_26 = arith.constant 0 : i32
        %dma_wait3A_27 = tpu.memref_slice %arg5[%add3A_11, %dma_wait3A_26] : memref<1638400x16xf32, #tpu.memory_space<hbm>> -> memref<2048x16xf32, #tpu.memory_space<hbm>>
        %dma_wait3A_28 = arith.constant 0 : i32
        %dma_wait3A_29 = tpu.memref_slice %arg5[%add3A_11, %dma_wait3A_28] : memref<1638400x16xf32, #tpu.memory_space<hbm>> -> memref<2048x16xf32, #tpu.memory_space<hbm>>
        tpu.wait_dma2 semaphore(%run_scoped3A : memref<!tpu.dma_semaphore, #tpu.memory_space<semaphore_mem>>) src(%arg9 : memref<2048x16xf32, #tpu.memory_space<vmem>>) dst(%dma_wait3A_29 : memref<2048x16xf32, #tpu.memory_space<hbm>>)
        tpu.yield
      }) : () -> ()
      "tpu.region"() ({
        %run_scoped3A = tpu.sem_alloc : memref<!tpu.dma_semaphore, #tpu.memory_space<semaphore_mem>>
        %dma_start3A_22 = arith.constant 0 : i32
        %dma_start3A_23 = tpu.memref_slice %arg6[%add3A_11, %dma_start3A_22] : memref<1638400x16xf32, #tpu.memory_space<hbm>> -> memref<2048x16xf32, #tpu.memory_space<hbm>>
        %dma_start3A_24 = arith.constant 0 : i32
        %dma_start3A_25 = tpu.memref_slice %arg6[%add3A_11, %dma_start3A_24] : memref<1638400x16xf32, #tpu.memory_space<hbm>> -> memref<2048x16xf32, #tpu.memory_space<hbm>>
        tpu.enqueue_dma source(%arg10 : memref<2048x16xf32, #tpu.memory_space<vmem>>) target(%dma_start3A_25 : memref<2048x16xf32, #tpu.memory_space<hbm>>) target_semaphore(%run_scoped3A : memref<!tpu.dma_semaphore, #tpu.memory_space<semaphore_mem>>)
        %dma_wait3A_26 = arith.constant 0 : i32
        %dma_wait3A_27 = tpu.memref_slice %arg6[%add3A_11, %dma_wait3A_26] : memref<1638400x16xf32, #tpu.memory_space<hbm>> -> memref<2048x16xf32, #tpu.memory_space<hbm>>
        %dma_wait3A_28 = arith.constant 0 : i32
        %dma_wait3A_29 = tpu.memref_slice %arg6[%add3A_11, %dma_wait3A_28] : memref<1638400x16xf32, #tpu.memory_space<hbm>> -> memref<2048x16xf32, #tpu.memory_space<hbm>>
        tpu.wait_dma2 semaphore(%run_scoped3A : memref<!tpu.dma_semaphore, #tpu.memory_space<semaphore_mem>>) src(%arg10 : memref<2048x16xf32, #tpu.memory_space<vmem>>) dst(%dma_wait3A_29 : memref<2048x16xf32, #tpu.memory_space<hbm>>)
        tpu.yield
      }) : () -> ()
    }
    %scan3A_5 = arith.constant 25 : i32
    return
  }
}

#map = affine_map<(d0, d1) -> (0, 0)>
#map1 = affine_map<(d0, d1) -> (0)>
#map2 = affine_map<(d0, d1) -> (0, 0, 0)>
module attributes {stable_mosaic.version = 14 : i64} {
  func.func @_sc_scatter_body(%arg0: i32, %arg1: i32, %arg2: memref<1638400x16xf32, #tpu.memory_space<hbm>>, %arg3: memref<1638400xi32, #tpu.memory_space<hbm>>, %arg4: memref<6272x16xf32, #tpu.memory_space<hbm>>, %arg5: memref<2x100352x16xf32, #tpu.memory_space<hbm>>, %arg6: memref<1024x16xf32, #tpu.memory_space<vmem>>, %arg7: memref<1024xi32, #tpu.memory_space<vmem>>, %arg8: memref<100352x16xf32, #tpu.memory_space<vmem_shared>>, %arg9: memref<!tpu.dma_semaphore, #tpu.memory_space<semaphore_mem>>) attributes {dimension_semantics = [#tpu.dimension_semantics<core_parallel>, #tpu.dimension_semantics<subcore_parallel>], iteration_bounds = array<i64: 2, 16>, scalar_prefetch = 0 : i64, scratch_operands = 4 : i64, tpu.core_type = #tpu.core_type<sc_vector_subcore>, window_params = [{transform_indices = #map}, {transform_indices = #map1}, {transform_indices = #map}, {transform_indices = #map2}]} {
    %mul3A = arith.constant 2 : i32
    %mul3A_0 = arith.muli %arg1, %mul3A : i32
    %add3A = arith.addi %mul3A_0, %arg0 : i32
    %mul3A_1 = arith.constant 6272 : i32
    %mul3A_2 = arith.muli %arg1, %mul3A_1 : i32
    "tpu.region"() ({
      %run_scoped3A = tpu.sem_alloc : memref<!tpu.dma_semaphore, #tpu.memory_space<semaphore_mem>>
      %dma_start3A = arith.constant 0 : i32
      %dma_start3A_13 = tpu.memref_slice %arg8[%mul3A_2, %dma_start3A] : memref<100352x16xf32, #tpu.memory_space<vmem_shared>> -> memref<6272x16xf32, #tpu.memory_space<vmem_shared>>
      tpu.enqueue_dma source(%arg4 : memref<6272x16xf32, #tpu.memory_space<hbm>>) target(%dma_start3A_13 : memref<6272x16xf32, #tpu.memory_space<vmem_shared>>) target_semaphore(%run_scoped3A : memref<!tpu.dma_semaphore, #tpu.memory_space<semaphore_mem>>)
      %dma_wait3A = arith.constant 0 : i32
      %dma_wait3A_14 = tpu.memref_slice %arg8[%mul3A_2, %dma_wait3A] : memref<100352x16xf32, #tpu.memory_space<vmem_shared>> -> memref<6272x16xf32, #tpu.memory_space<vmem_shared>>
      tpu.wait_dma2 semaphore(%run_scoped3A : memref<!tpu.dma_semaphore, #tpu.memory_space<semaphore_mem>>) src(%arg4 : memref<6272x16xf32, #tpu.memory_space<hbm>>) dst(%dma_wait3A_14 : memref<6272x16xf32, #tpu.memory_space<vmem_shared>>)
      tpu.yield
    }) : () -> ()
    %barrier3A = arith.constant 0 : index
    tpu.barrier barrier_id(%barrier3A)
    %scan3A = arith.constant 0 : i32
    %scan3A_3 = arith.constant 0 : i32
    %scan3A_4 = arith.constant 50 : i32
    %scan3A_5 = arith.addi %scan3A_3, %scan3A_4 : i32
    %scan3A_6 = arith.constant 1 : i32
    scf.for %scan3A_13 = %scan3A_3 to %scan3A_5 step %scan3A_6  : i32 {
      %mul3A_14 = arith.constant 51200 : i32
      %mul3A_15 = arith.muli %add3A, %mul3A_14 : i32
      %mul3A_16 = arith.constant 1024 : i32
      %mul3A_17 = arith.muli %scan3A_13, %mul3A_16 : i32
      %add3A_18 = arith.addi %mul3A_15, %mul3A_17 : i32
      "tpu.region"() ({
        %run_scoped3A = tpu.sem_alloc : memref<!tpu.dma_semaphore, #tpu.memory_space<semaphore_mem>>
        %dma_start3A = arith.constant 0 : i32
        %dma_start3A_19 = tpu.memref_slice %arg2[%add3A_18, %dma_start3A] : memref<1638400x16xf32, #tpu.memory_space<hbm>> -> memref<1024x16xf32, #tpu.memory_space<hbm>>
        %dma_start3A_20 = arith.constant 0 : i32
        %dma_start3A_21 = tpu.memref_slice %arg2[%add3A_18, %dma_start3A_20] : memref<1638400x16xf32, #tpu.memory_space<hbm>> -> memref<1024x16xf32, #tpu.memory_space<hbm>>
        tpu.enqueue_dma source(%dma_start3A_21 : memref<1024x16xf32, #tpu.memory_space<hbm>>) target(%arg6 : memref<1024x16xf32, #tpu.memory_space<vmem>>) target_semaphore(%run_scoped3A : memref<!tpu.dma_semaphore, #tpu.memory_space<semaphore_mem>>)
        %dma_wait3A = arith.constant 0 : i32
        %dma_wait3A_22 = tpu.memref_slice %arg2[%add3A_18, %dma_wait3A] : memref<1638400x16xf32, #tpu.memory_space<hbm>> -> memref<1024x16xf32, #tpu.memory_space<hbm>>
        %dma_wait3A_23 = arith.constant 0 : i32
        %dma_wait3A_24 = tpu.memref_slice %arg2[%add3A_18, %dma_wait3A_23] : memref<1638400x16xf32, #tpu.memory_space<hbm>> -> memref<1024x16xf32, #tpu.memory_space<hbm>>
        tpu.wait_dma2 semaphore(%run_scoped3A : memref<!tpu.dma_semaphore, #tpu.memory_space<semaphore_mem>>) src(%dma_wait3A_24 : memref<1024x16xf32, #tpu.memory_space<hbm>>) dst(%arg6 : memref<1024x16xf32, #tpu.memory_space<vmem>>)
        tpu.yield
      }) : () -> ()
      "tpu.region"() ({
        %run_scoped3A = tpu.sem_alloc : memref<!tpu.dma_semaphore, #tpu.memory_space<semaphore_mem>>
        %dma_start3A = tpu.memref_slice %arg3[%add3A_18] : memref<1638400xi32, #tpu.memory_space<hbm>> -> memref<1024xi32, #tpu.memory_space<hbm>>
        %dma_start3A_19 = tpu.memref_slice %arg3[%add3A_18] : memref<1638400xi32, #tpu.memory_space<hbm>> -> memref<1024xi32, #tpu.memory_space<hbm>>
        tpu.enqueue_dma source(%dma_start3A_19 : memref<1024xi32, #tpu.memory_space<hbm>>) target(%arg7 : memref<1024xi32, #tpu.memory_space<vmem>>) target_semaphore(%run_scoped3A : memref<!tpu.dma_semaphore, #tpu.memory_space<semaphore_mem>>)
        %dma_wait3A = tpu.memref_slice %arg3[%add3A_18] : memref<1638400xi32, #tpu.memory_space<hbm>> -> memref<1024xi32, #tpu.memory_space<hbm>>
        %dma_wait3A_20 = tpu.memref_slice %arg3[%add3A_18] : memref<1638400xi32, #tpu.memory_space<hbm>> -> memref<1024xi32, #tpu.memory_space<hbm>>
        tpu.wait_dma2 semaphore(%run_scoped3A : memref<!tpu.dma_semaphore, #tpu.memory_space<semaphore_mem>>) src(%dma_wait3A_20 : memref<1024xi32, #tpu.memory_space<hbm>>) dst(%arg7 : memref<1024xi32, #tpu.memory_space<vmem>>)
        tpu.yield
      }) : () -> ()
      "tpu.region"() ({
        %run_scoped3A = tpu.sem_alloc : memref<!tpu.dma_semaphore, #tpu.memory_space<semaphore_mem>>
        %dma_start3A = arith.constant 0 : i32
        %dma_start3A_19 = arith.constant 0 : i32
        %dma_start3A_20 = tpu.memref_slice %arg8[%dma_start3A, %dma_start3A_19] : memref<100352x16xf32, #tpu.memory_space<vmem_shared>> -> memref<100352x16xf32, #tpu.memory_space<vmem_shared>>
        tpu.enqueue_indirect_dma source(%arg6 : memref<1024x16xf32, #tpu.memory_space<vmem>>) target(%dma_start3A_20 : memref<100352x16xf32, #tpu.memory_space<vmem_shared>>) offsets(%arg7 : memref<1024xi32, #tpu.memory_space<vmem>>) semaphore(%run_scoped3A : memref<!tpu.dma_semaphore, #tpu.memory_space<semaphore_mem>>) {add = true}
        %dma_wait3A = arith.constant 0 : i32
        %dma_wait3A_21 = arith.constant 0 : i32
        %dma_wait3A_22 = tpu.memref_slice %arg8[%dma_wait3A, %dma_wait3A_21] : memref<100352x16xf32, #tpu.memory_space<vmem_shared>> -> memref<100352x16xf32, #tpu.memory_space<vmem_shared>>
        tpu.wait_indirect_dma semaphore(%run_scoped3A : memref<!tpu.dma_semaphore, #tpu.memory_space<semaphore_mem>>) src(%arg6 : memref<1024x16xf32, #tpu.memory_space<vmem>>) dst(%dma_wait3A_22 : memref<100352x16xf32, #tpu.memory_space<vmem_shared>>)
        tpu.yield
      }) : () -> ()
    }
    %scan3A_7 = arith.constant 50 : i32
    %barrier3A_8 = arith.constant 0 : index
    tpu.barrier barrier_id(%barrier3A_8)
    %mul3A_9 = arith.constant 6272 : i32
    %mul3A_10 = arith.muli %arg1, %mul3A_9 : i32
    %mul3A_11 = arith.constant 6272 : i32
    %mul3A_12 = arith.muli %arg1, %mul3A_11 : i32
    "tpu.region"() ({
      %run_scoped3A = tpu.sem_alloc : memref<!tpu.dma_semaphore, #tpu.memory_space<semaphore_mem>>
      %dma_start3A = arith.constant 0 : i32
      %dma_start3A_13 = tpu.memref_slice %arg5[%arg0, %mul3A_12, %dma_start3A] : memref<2x100352x16xf32, #tpu.memory_space<hbm>> -> memref<1x6272x16xf32, #tpu.memory_space<hbm>>
      %dma_start3A_14 = tpu.memref_squeeze %dma_start3A_13 : memref<1x6272x16xf32, #tpu.memory_space<hbm>> -> memref<6272x16xf32, #tpu.memory_space<hbm>>
      %dma_start3A_15 = arith.constant 0 : i32
      %dma_start3A_16 = tpu.memref_slice %arg8[%mul3A_10, %dma_start3A_15] : memref<100352x16xf32, #tpu.memory_space<vmem_shared>> -> memref<6272x16xf32, #tpu.memory_space<vmem_shared>>
      tpu.enqueue_dma source(%dma_start3A_16 : memref<6272x16xf32, #tpu.memory_space<vmem_shared>>) target(%dma_start3A_14 : memref<6272x16xf32, #tpu.memory_space<hbm>>) target_semaphore(%run_scoped3A : memref<!tpu.dma_semaphore, #tpu.memory_space<semaphore_mem>>)
      %dma_wait3A = arith.constant 0 : i32
      %dma_wait3A_17 = tpu.memref_slice %arg5[%arg0, %mul3A_12, %dma_wait3A] : memref<2x100352x16xf32, #tpu.memory_space<hbm>> -> memref<1x6272x16xf32, #tpu.memory_space<hbm>>
      %dma_wait3A_18 = tpu.memref_squeeze %dma_wait3A_17 : memref<1x6272x16xf32, #tpu.memory_space<hbm>> -> memref<6272x16xf32, #tpu.memory_space<hbm>>
      %dma_wait3A_19 = arith.constant 0 : i32
      %dma_wait3A_20 = tpu.memref_slice %arg8[%mul3A_10, %dma_wait3A_19] : memref<100352x16xf32, #tpu.memory_space<vmem_shared>> -> memref<6272x16xf32, #tpu.memory_space<vmem_shared>>
      tpu.wait_dma2 semaphore(%run_scoped3A : memref<!tpu.dma_semaphore, #tpu.memory_space<semaphore_mem>>) src(%dma_wait3A_20 : memref<6272x16xf32, #tpu.memory_space<vmem_shared>>) dst(%dma_wait3A_18 : memref<6272x16xf32, #tpu.memory_space<hbm>>)
      tpu.yield
    }) : () -> ()
    return
  }
}

#map = affine_map<(d0, d1) -> (0)>
#map1 = affine_map<(d0, d1) -> (0, 0)>
#map2 = affine_map<(d0, d1) -> (0, 0, 0)>
module attributes {stable_mosaic.version = 14 : i64} {
  func.func @_sc_count_body(%arg0: i32, %arg1: i32, %arg2: memref<1638400xi32, #tpu.memory_space<hbm>>, %arg3: memref<1024x16xf32, #tpu.memory_space<hbm>>, %arg4: memref<6272x16xf32, #tpu.memory_space<hbm>>, %arg5: memref<2x100352x16xf32, #tpu.memory_space<hbm>>, %arg6: memref<1024xi32, #tpu.memory_space<vmem>>, %arg7: memref<1024x16xf32, #tpu.memory_space<vmem>>, %arg8: memref<100352x16xf32, #tpu.memory_space<vmem_shared>>, %arg9: memref<!tpu.dma_semaphore, #tpu.memory_space<semaphore_mem>>) attributes {dimension_semantics = [#tpu.dimension_semantics<core_parallel>, #tpu.dimension_semantics<subcore_parallel>], iteration_bounds = array<i64: 2, 16>, scalar_prefetch = 0 : i64, scratch_operands = 4 : i64, tpu.core_type = #tpu.core_type<sc_vector_subcore>, window_params = [{transform_indices = #map}, {transform_indices = #map1}, {transform_indices = #map1}, {transform_indices = #map2}]} {
    %mul3A = arith.constant 2 : i32
    %mul3A_0 = arith.muli %arg1, %mul3A : i32
    %add3A = arith.addi %mul3A_0, %arg0 : i32
    %mul3A_1 = arith.constant 6272 : i32
    %mul3A_2 = arith.muli %arg1, %mul3A_1 : i32
    "tpu.region"() ({
      %run_scoped3A = tpu.sem_alloc : memref<!tpu.dma_semaphore, #tpu.memory_space<semaphore_mem>>
      %dma_start3A = arith.constant 0 : i32
      %dma_start3A_13 = tpu.memref_slice %arg8[%mul3A_2, %dma_start3A] : memref<100352x16xf32, #tpu.memory_space<vmem_shared>> -> memref<6272x16xf32, #tpu.memory_space<vmem_shared>>
      tpu.enqueue_dma source(%arg4 : memref<6272x16xf32, #tpu.memory_space<hbm>>) target(%dma_start3A_13 : memref<6272x16xf32, #tpu.memory_space<vmem_shared>>) target_semaphore(%run_scoped3A : memref<!tpu.dma_semaphore, #tpu.memory_space<semaphore_mem>>)
      %dma_wait3A = arith.constant 0 : i32
      %dma_wait3A_14 = tpu.memref_slice %arg8[%mul3A_2, %dma_wait3A] : memref<100352x16xf32, #tpu.memory_space<vmem_shared>> -> memref<6272x16xf32, #tpu.memory_space<vmem_shared>>
      tpu.wait_dma2 semaphore(%run_scoped3A : memref<!tpu.dma_semaphore, #tpu.memory_space<semaphore_mem>>) src(%arg4 : memref<6272x16xf32, #tpu.memory_space<hbm>>) dst(%dma_wait3A_14 : memref<6272x16xf32, #tpu.memory_space<vmem_shared>>)
      tpu.yield
    }) : () -> ()
    "tpu.region"() ({
      %run_scoped3A = tpu.sem_alloc : memref<!tpu.dma_semaphore, #tpu.memory_space<semaphore_mem>>
      tpu.enqueue_dma source(%arg3 : memref<1024x16xf32, #tpu.memory_space<hbm>>) target(%arg7 : memref<1024x16xf32, #tpu.memory_space<vmem>>) target_semaphore(%run_scoped3A : memref<!tpu.dma_semaphore, #tpu.memory_space<semaphore_mem>>)
      tpu.wait_dma2 semaphore(%run_scoped3A : memref<!tpu.dma_semaphore, #tpu.memory_space<semaphore_mem>>) src(%arg3 : memref<1024x16xf32, #tpu.memory_space<hbm>>) dst(%arg7 : memref<1024x16xf32, #tpu.memory_space<vmem>>)
      tpu.yield
    }) : () -> ()
    %barrier3A = arith.constant 0 : index
    tpu.barrier barrier_id(%barrier3A)
    %scan3A = arith.constant 0 : i32
    %scan3A_3 = arith.constant 0 : i32
    %scan3A_4 = arith.constant 50 : i32
    %scan3A_5 = arith.addi %scan3A_3, %scan3A_4 : i32
    %scan3A_6 = arith.constant 1 : i32
    scf.for %scan3A_13 = %scan3A_3 to %scan3A_5 step %scan3A_6  : i32 {
      %mul3A_14 = arith.constant 51200 : i32
      %mul3A_15 = arith.muli %add3A, %mul3A_14 : i32
      %mul3A_16 = arith.constant 1024 : i32
      %mul3A_17 = arith.muli %scan3A_13, %mul3A_16 : i32
      %add3A_18 = arith.addi %mul3A_15, %mul3A_17 : i32
      "tpu.region"() ({
        %run_scoped3A = tpu.sem_alloc : memref<!tpu.dma_semaphore, #tpu.memory_space<semaphore_mem>>
        %dma_start3A = tpu.memref_slice %arg2[%add3A_18] : memref<1638400xi32, #tpu.memory_space<hbm>> -> memref<1024xi32, #tpu.memory_space<hbm>>
        %dma_start3A_19 = tpu.memref_slice %arg2[%add3A_18] : memref<1638400xi32, #tpu.memory_space<hbm>> -> memref<1024xi32, #tpu.memory_space<hbm>>
        tpu.enqueue_dma source(%dma_start3A_19 : memref<1024xi32, #tpu.memory_space<hbm>>) target(%arg6 : memref<1024xi32, #tpu.memory_space<vmem>>) target_semaphore(%run_scoped3A : memref<!tpu.dma_semaphore, #tpu.memory_space<semaphore_mem>>)
        %dma_wait3A = tpu.memref_slice %arg2[%add3A_18] : memref<1638400xi32, #tpu.memory_space<hbm>> -> memref<1024xi32, #tpu.memory_space<hbm>>
        %dma_wait3A_20 = tpu.memref_slice %arg2[%add3A_18] : memref<1638400xi32, #tpu.memory_space<hbm>> -> memref<1024xi32, #tpu.memory_space<hbm>>
        tpu.wait_dma2 semaphore(%run_scoped3A : memref<!tpu.dma_semaphore, #tpu.memory_space<semaphore_mem>>) src(%dma_wait3A_20 : memref<1024xi32, #tpu.memory_space<hbm>>) dst(%arg6 : memref<1024xi32, #tpu.memory_space<vmem>>)
        tpu.yield
      }) : () -> ()
      "tpu.region"() ({
        %run_scoped3A = tpu.sem_alloc : memref<!tpu.dma_semaphore, #tpu.memory_space<semaphore_mem>>
        %dma_start3A = arith.constant 0 : i32
        %dma_start3A_19 = arith.constant 0 : i32
        %dma_start3A_20 = tpu.memref_slice %arg8[%dma_start3A, %dma_start3A_19] : memref<100352x16xf32, #tpu.memory_space<vmem_shared>> -> memref<100352x16xf32, #tpu.memory_space<vmem_shared>>
        tpu.enqueue_indirect_dma source(%arg7 : memref<1024x16xf32, #tpu.memory_space<vmem>>) target(%dma_start3A_20 : memref<100352x16xf32, #tpu.memory_space<vmem_shared>>) offsets(%arg6 : memref<1024xi32, #tpu.memory_space<vmem>>) semaphore(%run_scoped3A : memref<!tpu.dma_semaphore, #tpu.memory_space<semaphore_mem>>) {add = true}
        %dma_wait3A = arith.constant 0 : i32
        %dma_wait3A_21 = arith.constant 0 : i32
        %dma_wait3A_22 = tpu.memref_slice %arg8[%dma_wait3A, %dma_wait3A_21] : memref<100352x16xf32, #tpu.memory_space<vmem_shared>> -> memref<100352x16xf32, #tpu.memory_space<vmem_shared>>
        tpu.wait_indirect_dma semaphore(%run_scoped3A : memref<!tpu.dma_semaphore, #tpu.memory_space<semaphore_mem>>) src(%arg7 : memref<1024x16xf32, #tpu.memory_space<vmem>>) dst(%dma_wait3A_22 : memref<100352x16xf32, #tpu.memory_space<vmem_shared>>)
        tpu.yield
      }) : () -> ()
    }
    %scan3A_7 = arith.constant 50 : i32
    %barrier3A_8 = arith.constant 0 : index
    tpu.barrier barrier_id(%barrier3A_8)
    %mul3A_9 = arith.constant 6272 : i32
    %mul3A_10 = arith.muli %arg1, %mul3A_9 : i32
    %mul3A_11 = arith.constant 6272 : i32
    %mul3A_12 = arith.muli %arg1, %mul3A_11 : i32
    "tpu.region"() ({
      %run_scoped3A = tpu.sem_alloc : memref<!tpu.dma_semaphore, #tpu.memory_space<semaphore_mem>>
      %dma_start3A = arith.constant 0 : i32
      %dma_start3A_13 = tpu.memref_slice %arg5[%arg0, %mul3A_12, %dma_start3A] : memref<2x100352x16xf32, #tpu.memory_space<hbm>> -> memref<1x6272x16xf32, #tpu.memory_space<hbm>>
      %dma_start3A_14 = tpu.memref_squeeze %dma_start3A_13 : memref<1x6272x16xf32, #tpu.memory_space<hbm>> -> memref<6272x16xf32, #tpu.memory_space<hbm>>
      %dma_start3A_15 = arith.constant 0 : i32
      %dma_start3A_16 = tpu.memref_slice %arg8[%mul3A_10, %dma_start3A_15] : memref<100352x16xf32, #tpu.memory_space<vmem_shared>> -> memref<6272x16xf32, #tpu.memory_space<vmem_shared>>
      tpu.enqueue_dma source(%dma_start3A_16 : memref<6272x16xf32, #tpu.memory_space<vmem_shared>>) target(%dma_start3A_14 : memref<6272x16xf32, #tpu.memory_space<hbm>>) target_semaphore(%run_scoped3A : memref<!tpu.dma_semaphore, #tpu.memory_space<semaphore_mem>>)
      %dma_wait3A = arith.constant 0 : i32
      %dma_wait3A_17 = tpu.memref_slice %arg5[%arg0, %mul3A_12, %dma_wait3A] : memref<2x100352x16xf32, #tpu.memory_space<hbm>> -> memref<1x6272x16xf32, #tpu.memory_space<hbm>>
      %dma_wait3A_18 = tpu.memref_squeeze %dma_wait3A_17 : memref<1x6272x16xf32, #tpu.memory_space<hbm>> -> memref<6272x16xf32, #tpu.memory_space<hbm>>
      %dma_wait3A_19 = arith.constant 0 : i32
      %dma_wait3A_20 = tpu.memref_slice %arg8[%mul3A_10, %dma_wait3A_19] : memref<100352x16xf32, #tpu.memory_space<vmem_shared>> -> memref<6272x16xf32, #tpu.memory_space<vmem_shared>>
      tpu.wait_dma2 semaphore(%run_scoped3A : memref<!tpu.dma_semaphore, #tpu.memory_space<semaphore_mem>>) src(%dma_wait3A_20 : memref<6272x16xf32, #tpu.memory_space<vmem_shared>>) dst(%dma_wait3A_18 : memref<6272x16xf32, #tpu.memory_space<hbm>>)
      tpu.yield
    }) : () -> ()
    return
  }
}

module attributes {stable_mosaic.version = 14 : i64} {
  func.func @_mlp_body(%arg0: i32, %arg1: memref<1024x128xf32, #tpu.memory_space<vmem>>, %arg2: memref<1024x128xf32, #tpu.memory_space<vmem>>, %arg3: memref<128x128xf32, #tpu.memory_space<vmem>>, %arg4: memref<128x128xf32, #tpu.memory_space<vmem>>, %arg5: memref<8x128xf32, #tpu.memory_space<vmem>>, %arg6: memref<128x8xf32, #tpu.memory_space<vmem>>, %arg7: memref<1x128xf32, #tpu.memory_space<vmem>>, %arg8: memref<128x128xf32, #tpu.memory_space<vmem>>, %arg9: memref<1x128xf32, #tpu.memory_space<vmem>>, %arg10: memref<1024x128xf32, #tpu.memory_space<vmem>>) attributes {dimension_semantics = [#tpu.dimension_semantics<arbitrary>], iteration_bounds = array<i64: 200>, scalar_prefetch = 0 : i64, scratch_operands = 0 : i64, tpu.core_type = #tpu.core_type<tc>, window_params = [{transform_indices = @transform_0, window_bounds = array<i64: 1024, 128>}, {transform_indices = @transform_1, window_bounds = array<i64: 1024, 128>}, {pipeline_mode = #tpu.pipeline_mode<synchronous>, transform_indices = @transform_2, window_bounds = array<i64: 128, 128>}, {pipeline_mode = #tpu.pipeline_mode<synchronous>, transform_indices = @transform_3, window_bounds = array<i64: 128, 128>}, {pipeline_mode = #tpu.pipeline_mode<synchronous>, transform_indices = @transform_4, window_bounds = array<i64: 8, 128>}, {pipeline_mode = #tpu.pipeline_mode<synchronous>, transform_indices = @transform_5, window_bounds = array<i64: 128, 8>}, {pipeline_mode = #tpu.pipeline_mode<synchronous>, transform_indices = @transform_6, window_bounds = array<i64: 1, 128>}, {pipeline_mode = #tpu.pipeline_mode<synchronous>, transform_indices = @transform_7, window_bounds = array<i64: 128, 128>}, {pipeline_mode = #tpu.pipeline_mode<synchronous>, transform_indices = @transform_8, window_bounds = array<i64: 1, 128>}, {transform_indices = @transform_9, window_bounds = array<i64: 1024, 128>}]} {
    %get3A = arith.constant 0 : index
    %get3A_0 = arith.constant 0 : index
    %get3A_1 = vector.load %arg1[%get3A, %get3A_0] : memref<1024x128xf32, #tpu.memory_space<vmem>>, vector<1024x128xf32>
    %get3A_2 = arith.constant 0 : index
    %get3A_3 = arith.constant 0 : index
    %get3A_4 = vector.load %arg2[%get3A_2, %get3A_3] : memref<1024x128xf32, #tpu.memory_space<vmem>>, vector<1024x128xf32>
    %sub3A = arith.subf %get3A_1, %get3A_4 : vector<1024x128xf32>
    %mul3A = arith.mulf %sub3A, %sub3A : vector<1024x128xf32>
    %get3A_5 = arith.constant 0 : index
    %get3A_6 = arith.constant 0 : index
    %get3A_7 = vector.load %arg6[%get3A_5, %get3A_6] : memref<128x8xf32, #tpu.memory_space<vmem>>, vector<128x8xf32>
    %dot_general3A = arith.constant dense<0.000000e+00> : vector<1024x8xf32>
    %dot_general3A_8 = tpu.matmul %mul3A, %get3A_7, %dot_general3A {dimension_numbers = #tpu.dot_dimension_numbers<[1], [0], [0], [1], [0, 0, 1, 1], [], []>, transpose_lhs_hint = false} : vector<1024x128xf32>, vector<128x8xf32>, vector<1024x8xf32> -> vector<1024x8xf32>
    %sqrt3A = math.sqrt %dot_general3A_8 : vector<1024x8xf32>
    %get3A_9 = arith.constant 0 : index
    %get3A_10 = arith.constant 0 : index
    %get3A_11 = vector.load %arg3[%get3A_9, %get3A_10] : memref<128x128xf32, #tpu.memory_space<vmem>>, vector<128x128xf32>
    %dot_general3A_12 = arith.constant dense<0.000000e+00> : vector<1024x128xf32>
    %dot_general3A_13 = tpu.matmul %get3A_4, %get3A_11, %dot_general3A_12 {dimension_numbers = #tpu.dot_dimension_numbers<[1], [0], [0], [1], [0, 0, 1, 1], [], []>, transpose_lhs_hint = false} : vector<1024x128xf32>, vector<128x128xf32>, vector<1024x128xf32> -> vector<1024x128xf32>
    %get3A_14 = arith.constant 0 : index
    %get3A_15 = arith.constant 0 : index
    %get3A_16 = vector.load %arg4[%get3A_14, %get3A_15] : memref<128x128xf32, #tpu.memory_space<vmem>>, vector<128x128xf32>
    %dot_general3A_17 = arith.constant dense<0.000000e+00> : vector<1024x128xf32>
    %dot_general3A_18 = tpu.matmul %get3A_1, %get3A_16, %dot_general3A_17 {dimension_numbers = #tpu.dot_dimension_numbers<[1], [0], [0], [1], [0, 0, 1, 1], [], []>, transpose_lhs_hint = false} : vector<1024x128xf32>, vector<128x128xf32>, vector<1024x128xf32> -> vector<1024x128xf32>
    %add3A = arith.addf %dot_general3A_13, %dot_general3A_18 : vector<1024x128xf32>
    %get3A_19 = arith.constant 0 : index
    %get3A_20 = arith.constant 0 : index
    %get3A_21 = vector.load %arg5[%get3A_19, %get3A_20] : memref<8x128xf32, #tpu.memory_space<vmem>>, vector<8x128xf32>
    %dot_general3A_22 = arith.constant dense<0.000000e+00> : vector<1024x128xf32>
    %dot_general3A_23 = tpu.matmul %sqrt3A, %get3A_21, %dot_general3A_22 {dimension_numbers = #tpu.dot_dimension_numbers<[1], [0], [0], [1], [0, 0, 1, 1], [], []>, transpose_lhs_hint = false} : vector<1024x8xf32>, vector<8x128xf32>, vector<1024x128xf32> -> vector<1024x128xf32>
    %add3A_24 = arith.addf %add3A, %dot_general3A_23 : vector<1024x128xf32>
    %get3A_25 = arith.constant 0 : index
    %get3A_26 = arith.constant 0 : index
    %get3A_27 = vector.load %arg7[%get3A_25, %get3A_26] : memref<1x128xf32, #tpu.memory_space<vmem>>, vector<1x128xf32>
    %add3A_28 = vector.broadcast %get3A_27 : vector<1x128xf32> to vector<1024x128xf32>
    %add3A_29 = arith.addf %add3A_24, %add3A_28 : vector<1024x128xf32>
    %logistic3A = arith.negf %add3A_29 : vector<1024x128xf32>
    %logistic3A_30 = math.exp %logistic3A : vector<1024x128xf32>
    %logistic3A_31 = arith.constant 1.000000e+00 : f32
    %logistic3A_32 = vector.broadcast %logistic3A_31 : f32 to vector<1024x128xf32>
    %logistic3A_33 = arith.addf %logistic3A_32, %logistic3A_30 : vector<1024x128xf32>
    %logistic3A_34 = arith.divf %logistic3A_32, %logistic3A_33 : vector<1024x128xf32>
    %mul3A_35 = arith.mulf %add3A_29, %logistic3A_34 : vector<1024x128xf32>
    %get3A_36 = arith.constant 0 : index
    %get3A_37 = arith.constant 0 : index
    %get3A_38 = vector.load %arg8[%get3A_36, %get3A_37] : memref<128x128xf32, #tpu.memory_space<vmem>>, vector<128x128xf32>
    %dot_general3A_39 = arith.constant dense<0.000000e+00> : vector<1024x128xf32>
    %dot_general3A_40 = tpu.matmul %mul3A_35, %get3A_38, %dot_general3A_39 {dimension_numbers = #tpu.dot_dimension_numbers<[1], [0], [0], [1], [0, 0, 1, 1], [], []>, transpose_lhs_hint = false} : vector<1024x128xf32>, vector<128x128xf32>, vector<1024x128xf32> -> vector<1024x128xf32>
    %get3A_41 = arith.constant 0 : index
    %get3A_42 = arith.constant 0 : index
    %get3A_43 = vector.load %arg9[%get3A_41, %get3A_42] : memref<1x128xf32, #tpu.memory_space<vmem>>, vector<1x128xf32>
    %add3A_44 = vector.broadcast %get3A_43 : vector<1x128xf32> to vector<1024x128xf32>
    %add3A_45 = arith.addf %dot_general3A_40, %add3A_44 : vector<1024x128xf32>
    %swap3A = arith.constant 0 : index
    %swap3A_46 = arith.constant 0 : index
    %swap3A_47 = vector.load %arg10[%swap3A, %swap3A_46] : memref<1024x128xf32, #tpu.memory_space<vmem>>, vector<1024x128xf32>
    tpu.vector_store %arg10[%swap3A, %swap3A_46], %add3A_45 {strides = array<i32>} : memref<1024x128xf32, #tpu.memory_space<vmem>>, vector<1024x128xf32>,
    return
  }
  func.func @transform_0(%arg0: i32) -> (i32, i32) {
    %c0_i32 = arith.constant 0 : i32
    %c0_i32_0 = arith.constant 0 : i32
    return %arg0, %c0_i32 : i32, i32
  }
  func.func @transform_1(%arg0: i32) -> (i32, i32) {
    %c0_i32 = arith.constant 0 : i32
    %c0_i32_0 = arith.constant 0 : i32
    return %arg0, %c0_i32 : i32, i32
  }
  func.func @transform_2(%arg0: i32) -> (i32, i32) {
    %c0_i32 = arith.constant 0 : i32
    %c0_i32_0 = arith.constant 0 : i32
    %c0_i32_1 = arith.constant 0 : i32
    return %c0_i32, %c0_i32_0 : i32, i32
  }
  func.func @transform_3(%arg0: i32) -> (i32, i32) {
    %c0_i32 = arith.constant 0 : i32
    %c0_i32_0 = arith.constant 0 : i32
    %c0_i32_1 = arith.constant 0 : i32
    return %c0_i32, %c0_i32_0 : i32, i32
  }
  func.func @transform_4(%arg0: i32) -> (i32, i32) {
    %c0_i32 = arith.constant 0 : i32
    %c0_i32_0 = arith.constant 0 : i32
    %c0_i32_1 = arith.constant 0 : i32
    return %c0_i32, %c0_i32_0 : i32, i32
  }
  func.func @transform_5(%arg0: i32) -> (i32, i32) {
    %c0_i32 = arith.constant 0 : i32
    %c0_i32_0 = arith.constant 0 : i32
    %c0_i32_1 = arith.constant 0 : i32
    return %c0_i32, %c0_i32_0 : i32, i32
  }
  func.func @transform_6(%arg0: i32) -> (i32, i32) {
    %c0_i32 = arith.constant 0 : i32
    %c0_i32_0 = arith.constant 0 : i32
    %c0_i32_1 = arith.constant 0 : i32
    return %c0_i32, %c0_i32_0 : i32, i32
  }
  func.func @transform_7(%arg0: i32) -> (i32, i32) {
    %c0_i32 = arith.constant 0 : i32
    %c0_i32_0 = arith.constant 0 : i32
    %c0_i32_1 = arith.constant 0 : i32
    return %c0_i32, %c0_i32_0 : i32, i32
  }
  func.func @transform_8(%arg0: i32) -> (i32, i32) {
    %c0_i32 = arith.constant 0 : i32
    %c0_i32_0 = arith.constant 0 : i32
    %c0_i32_1 = arith.constant 0 : i32
    return %c0_i32, %c0_i32_0 : i32, i32
  }
  func.func @transform_9(%arg0: i32) -> (i32, i32) {
    %c0_i32 = arith.constant 0 : i32
    %c0_i32_0 = arith.constant 0 : i32
    return %arg0, %c0_i32 : i32, i32
  }
}

module attributes {stable_mosaic.version = 14 : i64} {
  func.func @_final_body(%arg0: i32, %arg1: memref<2000x16xf32, #tpu.memory_space<vmem>>, %arg2: memref<2000x16xf32, #tpu.memory_space<vmem>>, %arg3: memref<2000x1xf32, #tpu.memory_space<vmem>>, %arg4: memref<2000x1xf32, #tpu.memory_space<vmem>>, %arg5: memref<2000x1xi32, #tpu.memory_space<vmem>>, %arg6: memref<16x2xf32, #tpu.memory_space<vmem>>, %arg7: memref<1x2xf32, #tpu.memory_space<vmem>>, %arg8: memref<16x4xf32, #tpu.memory_space<vmem>>, %arg9: memref<1x8xf32, #tpu.memory_space<vmem>>, %arg10: memref<2000x2xf32, #tpu.memory_space<vmem>>, %arg11: memref<256x8xf32, #tpu.memory_space<vmem>>) attributes {dimension_semantics = [#tpu.dimension_semantics<arbitrary>], iteration_bounds = array<i64: 50>, scalar_prefetch = 0 : i64, scratch_operands = 0 : i64, tpu.core_type = #tpu.core_type<tc>, window_params = [{transform_indices = @transform_0, window_bounds = array<i64: 2000, 16>}, {transform_indices = @transform_1, window_bounds = array<i64: 2000, 16>}, {transform_indices = @transform_2, window_bounds = array<i64: 2000, 1>}, {transform_indices = @transform_3, window_bounds = array<i64: 2000, 1>}, {transform_indices = @transform_4, window_bounds = array<i64: 2000, 1>}, {pipeline_mode = #tpu.pipeline_mode<synchronous>, transform_indices = @transform_5, window_bounds = array<i64: 16, 2>}, {pipeline_mode = #tpu.pipeline_mode<synchronous>, transform_indices = @transform_6, window_bounds = array<i64: 1, 2>}, {pipeline_mode = #tpu.pipeline_mode<synchronous>, transform_indices = @transform_7, window_bounds = array<i64: 16, 4>}, {pipeline_mode = #tpu.pipeline_mode<synchronous>, transform_indices = @transform_8, window_bounds = array<i64: 1, 8>}, {transform_indices = @transform_9, window_bounds = array<i64: 2000, 2>}, {pipeline_mode = #tpu.pipeline_mode<synchronous>, transform_indices = @transform_10, window_bounds = array<i64: 256, 8>}]} {
    %get3A = arith.constant 0 : index
    %get3A_0 = arith.constant 0 : index
    %get3A_1 = vector.load %arg1[%get3A, %get3A_0] : memref<2000x16xf32, #tpu.memory_space<vmem>>, vector<2000x16xf32>
    %get3A_2 = arith.constant 0 : index
    %get3A_3 = arith.constant 0 : index
    %get3A_4 = vector.load %arg2[%get3A_2, %get3A_3] : memref<2000x16xf32, #tpu.memory_space<vmem>>, vector<2000x16xf32>
    %add3A = arith.addf %get3A_1, %get3A_4 : vector<2000x16xf32>
    %get3A_5 = arith.constant 0 : index
    %get3A_6 = arith.constant 0 : index
    %get3A_7 = vector.load %arg3[%get3A_5, %get3A_6] : memref<2000x1xf32, #tpu.memory_space<vmem>>, vector<2000x1xf32>
    %get3A_8 = arith.constant 0 : index
    %get3A_9 = arith.constant 0 : index
    %get3A_10 = vector.load %arg4[%get3A_8, %get3A_9] : memref<2000x1xf32, #tpu.memory_space<vmem>>, vector<2000x1xf32>
    %add3A_11 = arith.addf %get3A_7, %get3A_10 : vector<2000x1xf32>
    %max3A = arith.constant 1.000000e+00 : f32
    %max3A_12 = vector.broadcast %max3A : f32 to vector<2000x1xf32>
    %max3A_13 = arith.maximumf %add3A_11, %max3A_12 : vector<2000x1xf32>
    %div3A = vector.broadcast %max3A_13 : vector<2000x1xf32> to vector<2000x16xf32>
    %div3A_14 = arith.divf %add3A, %div3A : vector<2000x16xf32>
    %max3A_15 = arith.constant 0.000000e+00 : f32
    %max3A_16 = vector.broadcast %max3A_15 : f32 to vector<2000x16xf32>
    %max3A_17 = arith.maximumf %div3A_14, %max3A_16 : vector<2000x16xf32>
    %get3A_18 = arith.constant 0 : index
    %get3A_19 = arith.constant 0 : index
    %get3A_20 = vector.load %arg6[%get3A_18, %get3A_19] : memref<16x2xf32, #tpu.memory_space<vmem>>, vector<16x2xf32>
    %dot_general3A = arith.constant dense<0.000000e+00> : vector<2000x2xf32>
    %dot_general3A_21 = tpu.matmul %max3A_17, %get3A_20, %dot_general3A {dimension_numbers = #tpu.dot_dimension_numbers<[1], [0], [0], [1], [0, 0, 1, 1], [], []>, transpose_lhs_hint = false} : vector<2000x16xf32>, vector<16x2xf32>, vector<2000x2xf32> -> vector<2000x2xf32>
    %get3A_22 = arith.constant 0 : index
    %get3A_23 = arith.constant 0 : index
    %get3A_24 = vector.load %arg7[%get3A_22, %get3A_23] : memref<1x2xf32, #tpu.memory_space<vmem>>, vector<1x2xf32>
    %add3A_25 = vector.broadcast %get3A_24 : vector<1x2xf32> to vector<2000x2xf32>
    %add3A_26 = arith.addf %dot_general3A_21, %add3A_25 : vector<2000x2xf32>
    %reduce_max3A = arith.constant dense<0xFF800000> : vector<2000xf32>
    %reduce_max3A_27 = vector.multi_reduction <maximumf>, %add3A_26, %reduce_max3A [1] : vector<2000x2xf32> to vector<2000xf32>
    %broadcast_in_dim3A = vector.shape_cast %reduce_max3A_27 : vector<2000xf32> to vector<2000x1xf32>
    %sub3A = vector.broadcast %broadcast_in_dim3A : vector<2000x1xf32> to vector<2000x2xf32>
    %sub3A_28 = arith.subf %add3A_26, %sub3A : vector<2000x2xf32>
    %exp3A = math.exp %sub3A_28 : vector<2000x2xf32>
    %reduce_sum3A = arith.constant dense<0.000000e+00> : vector<2000xf32>
    %reduce_sum3A_29 = vector.multi_reduction <add>, %exp3A, %reduce_sum3A [1] : vector<2000x2xf32> to vector<2000xf32>
    %broadcast_in_dim3A_30 = vector.shape_cast %reduce_sum3A_29 : vector<2000xf32> to vector<2000x1xf32>
    %div3A_31 = vector.broadcast %broadcast_in_dim3A_30 : vector<2000x1xf32> to vector<2000x2xf32>
    %div3A_32 = arith.divf %exp3A, %div3A_31 : vector<2000x2xf32>
    %swap3A = arith.constant 0 : index
    %swap3A_33 = arith.constant 0 : index
    %swap3A_34 = vector.load %arg10[%swap3A, %swap3A_33] : memref<2000x2xf32, #tpu.memory_space<vmem>>, vector<2000x2xf32>
    tpu.vector_store %arg10[%swap3A, %swap3A_33], %div3A_32 {strides = array<i32>} : memref<2000x2xf32, #tpu.memory_space<vmem>>, vector<2000x2xf32>,
    %get3A_35 = arith.constant 0 : index
    %get3A_36 = arith.constant 0 : index
    %get3A_37 = vector.load %arg8[%get3A_35, %get3A_36] : memref<16x4xf32, #tpu.memory_space<vmem>>, vector<16x4xf32>
    %dot_general3A_38 = arith.constant dense<0.000000e+00> : vector<2000x4xf32>
    %dot_general3A_39 = tpu.matmul %max3A_17, %get3A_37, %dot_general3A_38 {dimension_numbers = #tpu.dot_dimension_numbers<[1], [0], [0], [1], [0, 0, 1, 1], [], []>, transpose_lhs_hint = false} : vector<2000x16xf32>, vector<16x4xf32>, vector<2000x4xf32> -> vector<2000x4xf32>
    %slice3A = vector.extract_strided_slice %div3A_32 {offsets = [0, 0], sizes = [2000, 1], strides = [1, 1]} : vector<2000x2xf32> to vector<2000x1xf32>
    %mul3A = vector.broadcast %slice3A : vector<2000x1xf32> to vector<2000x4xf32>
    %mul3A_40 = arith.mulf %mul3A, %dot_general3A_39 : vector<2000x4xf32>
    %slice3A_41 = vector.extract_strided_slice %div3A_32 {offsets = [0, 1], sizes = [2000, 1], strides = [1, 1]} : vector<2000x2xf32> to vector<2000x1xf32>
    %mul3A_42 = vector.broadcast %slice3A_41 : vector<2000x1xf32> to vector<2000x4xf32>
    %mul3A_43 = arith.mulf %mul3A_42, %dot_general3A_39 : vector<2000x4xf32>
    %concatenate3A = tpu.concatenate %mul3A_40, %mul3A_43 in 1 : vector<2000x4xf32>, vector<2000x4xf32> -> vector<2000x8xf32>
    %get3A_44 = arith.constant 0 : index
    %get3A_45 = arith.constant 0 : index
    %get3A_46 = vector.load %arg5[%get3A_44, %get3A_45] : memref<2000x1xi32, #tpu.memory_space<vmem>>, vector<2000x1xi32>
    %iota3A = tpu.iota {dimensions = array<i32: 1>} : vector<2000x256xi32>
    %eq3A = vector.broadcast %get3A_46 : vector<2000x1xi32> to vector<2000x256xi32>
    %eq3A_47 = arith.cmpi eq, %eq3A, %iota3A : vector<2000x256xi32>
    %convert_element_type3A = arith.extui %eq3A_47 : vector<2000x256xi1> to vector<2000x256xi32>
    %convert_element_type3A_48 = arith.sitofp %convert_element_type3A : vector<2000x256xi32> to vector<2000x256xf32>
    %dot_general3A_49 = arith.constant dense<0.000000e+00> : vector<256x8xf32>
    %dot_general3A_50 = tpu.matmul %convert_element_type3A_48, %concatenate3A, %dot_general3A_49 {dimension_numbers = #tpu.dot_dimension_numbers<[0], [0], [1], [1], [0, 1, 1, 1], [], []>, transpose_lhs_hint = false} : vector<2000x256xf32>, vector<2000x8xf32>, vector<256x8xf32> -> vector<256x8xf32>
    %eq3A_51 = arith.constant 0 : i32
    %eq3A_52 = arith.cmpi eq, %arg0, %eq3A_51 : i32
    %convert_element_type3A_53 = arith.extui %eq3A_52 : i1 to i32
    %cond3A = arith.constant 0 : i32
    %cond3A_54 = arith.cmpi ne, %convert_element_type3A_53, %cond3A : i32
    scf.if %cond3A_54 {
      %get3A_62 = arith.constant 0 : index
      %get3A_63 = arith.constant 0 : index
      %get3A_64 = vector.load %arg9[%get3A_62, %get3A_63] : memref<1x8xf32, #tpu.memory_space<vmem>>, vector<1x8xf32>
      %broadcast_in_dim3A_65 = vector.shape_cast %get3A_64 : vector<1x8xf32> to vector<1x8xf32>
      %broadcast_in_dim3A_66 = vector.broadcast %broadcast_in_dim3A_65 : vector<1x8xf32> to vector<256x8xf32>
      %swap3A_67 = arith.constant 0 : index
      %swap3A_68 = arith.constant 0 : index
      %swap3A_69 = vector.load %arg11[%swap3A_67, %swap3A_68] : memref<256x8xf32, #tpu.memory_space<vmem>>, vector<256x8xf32>
      tpu.vector_store %arg11[%swap3A_67, %swap3A_68], %broadcast_in_dim3A_66 {strides = array<i32>} : memref<256x8xf32, #tpu.memory_space<vmem>>, vector<256x8xf32>,
    } else {
    }
    %get3A_55 = arith.constant 0 : index
    %get3A_56 = arith.constant 0 : index
    %get3A_57 = vector.load %arg11[%get3A_55, %get3A_56] : memref<256x8xf32, #tpu.memory_space<vmem>>, vector<256x8xf32>
    %add3A_58 = arith.addf %get3A_57, %dot_general3A_50 : vector<256x8xf32>
    %swap3A_59 = arith.constant 0 : index
    %swap3A_60 = arith.constant 0 : index
    %swap3A_61 = vector.load %arg11[%swap3A_59, %swap3A_60] : memref<256x8xf32, #tpu.memory_space<vmem>>, vector<256x8xf32>
    tpu.vector_store %arg11[%swap3A_59, %swap3A_60], %add3A_58 {strides = array<i32>} : memref<256x8xf32, #tpu.memory_space<vmem>>, vector<256x8xf32>,
    return
  }
  func.func @transform_0(%arg0: i32) -> (i32, i32) {
    %c0_i32 = arith.constant 0 : i32
    %c0_i32_0 = arith.constant 0 : i32
    return %arg0, %c0_i32 : i32, i32
  }
  func.func @transform_1(%arg0: i32) -> (i32, i32) {
    %c0_i32 = arith.constant 0 : i32
    %c0_i32_0 = arith.constant 0 : i32
    return %arg0, %c0_i32 : i32, i32
  }
  func.func @transform_2(%arg0: i32) -> (i32, i32) {
    %c0_i32 = arith.constant 0 : i32
    %c0_i32_0 = arith.constant 0 : i32
    return %arg0, %c0_i32 : i32, i32
  }
  func.func @transform_3(%arg0: i32) -> (i32, i32) {
    %c0_i32 = arith.constant 0 : i32
    %c0_i32_0 = arith.constant 0 : i32
    return %arg0, %c0_i32 : i32, i32
  }
  func.func @transform_4(%arg0: i32) -> (i32, i32) {
    %c0_i32 = arith.constant 0 : i32
    %c0_i32_0 = arith.constant 0 : i32
    return %arg0, %c0_i32 : i32, i32
  }
  func.func @transform_5(%arg0: i32) -> (i32, i32) {
    %c0_i32 = arith.constant 0 : i32
    %c0_i32_0 = arith.constant 0 : i32
    %c0_i32_1 = arith.constant 0 : i32
    return %c0_i32, %c0_i32_0 : i32, i32
  }
  func.func @transform_6(%arg0: i32) -> (i32, i32) {
    %c0_i32 = arith.constant 0 : i32
    %c0_i32_0 = arith.constant 0 : i32
    %c0_i32_1 = arith.constant 0 : i32
    return %c0_i32, %c0_i32_0 : i32, i32
  }
  func.func @transform_7(%arg0: i32) -> (i32, i32) {
    %c0_i32 = arith.constant 0 : i32
    %c0_i32_0 = arith.constant 0 : i32
    %c0_i32_1 = arith.constant 0 : i32
    return %c0_i32, %c0_i32_0 : i32, i32
  }
  func.func @transform_8(%arg0: i32) -> (i32, i32) {
    %c0_i32 = arith.constant 0 : i32
    %c0_i32_0 = arith.constant 0 : i32
    %c0_i32_1 = arith.constant 0 : i32
    return %c0_i32, %c0_i32_0 : i32, i32
  }
  func.func @transform_9(%arg0: i32) -> (i32, i32) {
    %c0_i32 = arith.constant 0 : i32
    %c0_i32_0 = arith.constant 0 : i32
    return %arg0, %c0_i32 : i32, i32
  }
  func.func @transform_10(%arg0: i32) -> (i32, i32) {
    %c0_i32 = arith.constant 0 : i32
    %c0_i32_0 = arith.constant 0 : i32
    %c0_i32_1 = arith.constant 0 : i32
    return %c0_i32, %c0_i32_0 : i32, i32
  }
}

</mosaic_0001>

<sc_bundles>
// kernel: kernel.10.cloned.1.call-start
scs
__scs_entry_jumppad:
0x0: {  	(pc) =	sbr.rel $0x88, $3  }
0x1: {  	(tag) =	ssettag $0x0;
	lr =	simm.s32 $0x1  }
0x2: {  	[smem:$0x3F95] =	sst lr;
	_ =	strace $0xD0000000  }
0x3: {  	_ = 	snop  }
0x4: {  	_ = 	snop  }
0x5: {  	_ = 	snop  }
0x6: {  	_ = 	snop  }
0x7: {  	_ = 	snop  }
__scs_overlays_trampoline_lowered:
0x8: {  	[smem:$0x3FA4] =	sst s0  }
0x9: {  	[smem:$0x3FA5] =	sst s1  }
0xa: {  	[smem:$0x3FA6] =	sst s2  }
0xb: {  	[smem:$0x3FA7] =	sst s3  }
0xc: {  	[smem:$0x3FA8] =	sst s4  }
0xd: {  	[smem:$0x3FA9] =	sst s5  }
0xe: {  	[smem:$0x3FAA] =	sst s6  }
0xf: {  	[smem:$0x3FAB] =	sst s7  }
0x10: {  	[smem:$0x3FAC] =	sst s8  }
0x11: {  	[smem:$0x3FAD] =	sst s9;
	s0 =	simm.s32 @!p0 $0x0  }
0x12: {  	s1 =	sld [smem:$0x3F93];
	s0 =	simm.s32 @p0 $0x1  }
0x13: {  	[smem:$0x3FAE] =	sst s0;
	s0 =	simm.s32 @!p1 $0x0  }
0x14: {  	s2 =	sld [smem:$0x3F92];
	s0 =	simm.s32 @p1 $0x1  }
0x15: {  	[smem:$0x3FAF] =	sst s0;
	s0 =	simm.s32 @!p2 $0x0  }
0x16: {  	s3 =	sld [smem:$0x3FDB];
	s0 =	simm.s32 @p2 $0x1  }
0x17: {  	s4 =	simm.s32 $0x1BF5;
	[smem:$0x3FB1] =	sst s0  }
0x18: {  	s0 =	sld [smem:$0x3F94];
	_ =	swait.ge [sflag:s4], $0x0  }
0x19: {  	s7 =	sld [smem:$0x3F95]  }
0x1a: {  	s8 =	sadd.s32 $0xFFFFE003, lr  }
0x1b: {  	s9 =	sadd.s32 $0xFFFFFEF7, lr;
	s5 =	simm.s32 $0xFFFFFFFF;
	p2 =	slt.u32 s8, $0xFFFFF086  }
0x1c: {  	p1 =	slt.u32 s9, $0xF7A;
	s5 =	simm.s32 @!p2 $0x0  }
0x1d: {  	s5 =	simm.s32 @p1 $0x1;
	p0 =	seq.s32 s7, s2  }
0x1e: {  	s7 =	smul.u32 @!p0 $0xF7A, s2;
	p2 =	seq.s32 @!p0 s5, $0x0  }
0x1f: {  	s9 =	smul.u32 $0xF7A, s1;
	s8 =	simm.s32 @!p0 $0x1BF5;
	p2 =	por !p2, p0  }
0x20: {  	[sflag:s8] =	ssyncset.s32 @!p0 $0xFFFFF086;
	s6 =	sadd.s32 @!p0 s3, s7;
	s7 =	simm.s32 @!p0 $0x108  }
0x21: {  	s3 =	sadd.s32 s3, s9;
	s6 =	sadd.s32 @!p0 $0x88, s6;
	s7 =	simm.s32 @p2 $0x1082  }
0x22: {  	[simem:s7], [sflag:s8] =	dma.local @!p0 [hbm:s6], $0xF7A  }
0x23: {  	s9 =	sor.u32 $0xD0000000, s2;
	s6 =	simm.s32 $0x108;
	_ =	swait.ge @!p0 [sflag:s8], $0x0  }
0x24: {  	s3 =	sadd.s32 $0x88, s3;
	s6 =	simm.s32 @!p1 $0x1082;
	[sflag:s4] =	ssyncset.s32 $0xFFFFF086  }
0x25: {  	[simem:s6], [sflag:s4] =	dma.local [hbm:s3], $0xF7A  }
0x26: {  	[smem:$0x3F95] =	sst s1;
	(tag) =	ssettag s2;
	_ =	strace s9  }
0x27: {  	s1 =	sld [smem:$0x3FA5]  }
0x28: {  	s2 =	sld [smem:$0x3FA6]  }
0x29: {  	s4 =	sld [smem:$0x3FA8]  }
0x2a: {  	p0 =	seq.s32 s5, $0x0;
	s5 =	sld [smem:$0x3FA9]  }
0x2b: {  	s6 =	sld [smem:$0x3FAA]  }
0x2c: {  	s7 =	sld [smem:$0x3FAB]  }
0x2d: {  	s3 =	simm.s32 $0x108;
	s8 =	sld [smem:$0x3FAC]  }
0x2e: {  	s3 =	simm.s32 @!p0 $0x1082;
	s9 =	sld [smem:$0x3FAD]  }
0x2f: {  	lr =	sadd.s32 s0, s3;
	s0 =	sld [smem:$0x3FA4]  }
0x30: {  	s3 =	sld [smem:$0x3FA7]  }
0x31: {  	[smem:$0x3FB0] =	sst s10  }
0x32: {  	s10 =	sld [smem:$0x3FAE];
	_ =	sdelay $0x3  }
0x33: {  	p0 =	seq.s32 s10, $0x1;
	s10 =	sld [smem:$0x3FB0];
	_ =	sdelay $0x3  }
0x34: {  	[smem:$0x3FB0] =	sst s10  }
0x35: {  	s10 =	sld [smem:$0x3FAF];
	_ =	sdelay $0x3  }
0x36: {  	p1 =	seq.s32 s10, $0x1;
	s10 =	sld [smem:$0x3FB0];
	_ =	sdelay $0x3  }
0x37: {  	[smem:$0x3FB0] =	sst s10  }
0x38: {  	s10 =	sld [smem:$0x3FB1]  }
0x39: {  	_ = 	snop;
	(pc) =	sbr.ind lr, $3  }
0x3a: {  	_ = 	snop  }
0x3b: {  	_ = 	snop  }
0x3c: {  	p2 =	seq.s32 s10, $0x1;
	s10 =	sld [smem:$0x3FB0]  }
0x3d: {  	_ =	shalt  }
0x3e: {  	_ =	shalt  }
0x3f: {  	_ =	shalt  }
0x40: {  	_ =	shalt  }
0x41: {  	_ =	shalt  }
0x42: {  	_ =	shalt  }
0x43: {  	_ =	shalt  }
0x44: {  	_ =	shalt  }
0x45: {  	_ =	shalt  }
0x46: {  	_ =	shalt  }
0x47: {  	_ =	shalt  }
0x48: {  	_ =	shalt  }
0x49: {  	_ =	shalt  }
0x4a: {  	_ =	shalt  }
0x4b: {  	_ =	shalt  }
0x4c: {  	_ =	shalt  }
0x4d: {  	_ =	shalt  }
0x4e: {  	_ =	shalt  }
0x4f: {  	_ =	shalt  }
0x50: {  	_ =	shalt  }
0x51: {  	_ =	shalt  }
0x52: {  	_ =	shalt  }
0x53: {  	_ =	shalt  }
0x54: {  	_ =	shalt  }
0x55: {  	_ =	shalt  }
0x56: {  	_ =	shalt  }
0x57: {  	_ =	shalt  }
0x58: {  	_ =	shalt  }
0x59: {  	_ =	shalt  }
0x5a: {  	_ =	shalt  }
0x5b: {  	_ =	shalt  }
0x5c: {  	_ =	shalt  }
0x5d: {  	_ =	shalt  }
0x5e: {  	_ =	shalt  }
0x5f: {  	_ =	shalt  }
0x60: {  	_ =	shalt  }
0x61: {  	_ =	shalt  }
0x62: {  	_ =	shalt  }
0x63: {  	_ =	shalt  }
0x64: {  	_ =	shalt  }
0x65: {  	_ =	shalt  }
0x66: {  	_ =	shalt  }
0x67: {  	_ =	shalt  }
0x68: {  	_ =	shalt  }
0x69: {  	_ =	shalt  }
0x6a: {  	_ =	shalt  }
0x6b: {  	_ =	shalt  }
0x6c: {  	_ =	shalt  }
0x6d: {  	_ =	shalt  }
0x6e: {  	_ =	shalt  }
0x6f: {  	_ =	shalt  }
0x70: {  	_ =	shalt  }
0x71: {  	_ =	shalt  }
0x72: {  	_ =	shalt  }
0x73: {  	_ =	shalt  }
0x74: {  	_ =	shalt  }
0x75: {  	_ =	shalt  }
0x76: {  	_ =	shalt  }
0x77: {  	_ =	shalt  }
0x78: {  	_ =	shalt  }
0x79: {  	_ =	shalt  }
0x7a: {  	_ =	shalt  }
0x7b: {  	_ =	shalt  }
0x7c: {  	_ =	shalt  }
0x7d: {  	_ =	shalt  }
0x7e: {  	_ =	shalt  }
0x7f: {  	_ =	shalt  }
0x80: {  	_ =	shalt  }
0x81: {  	_ =	shalt  }
0x82: {  	_ =	shalt  }
0x83: {  	_ =	shalt  }
0x84: {  	_ =	shalt  }
0x85: {  	_ =	shalt  }
0x86: {  	_ =	shalt  }
0x87: {  	_ =	shalt  }
.Lfunc_end0:
.L_simem_size_0:
called_computation.1_lowered:
.L_overlay_start_0:
0x88: {  	s2 =	sld [smem:$0x3FD9]  }
0x89: {  	s3 =	sld [smem:$0x3FFE];
	_ =	sdelay $0x1  }
0x8a: {  	s1 =	srdreg.scid  }
0x8b: {  	s0 =	sand.u32 $0x1, s1  }
0x8c: {  	s15 =	sshll.u32 s0, $0xA;
	s2 =	sadd.s32 s3, s2  }
0x8d: {  	s2 =	sadd.s32 s2, s15  }
0x8e: {  	[smem:$0x3FBC] =	sst s2  }
0x8f: {  	_ = 	snop  }
0x90: {  	s2 =	sld [smem:$0x3FD0];
	_ =	sdelay $0x2  }
0x91: {  	s16 =	simm.s32 $0xB;
	s4 =	simm.s32 $0x10  }
0x92: {  	[smem:s4], [sflag:s16] =	dma.local [hbm:s2], $0x1  }
0x93: {  	_ =	swait.eq [sflag:s16], $0x1  }
0x94: {  	[sflag:s16] =	ssyncset.done $0x0  }
0x95: {  	[sflag:s16] =	ssyncadd.s32 $0xFFFFFFFF  }
0x96: {  	s17 =	sld [smem:$0x11];
	(tm) =	ssettm $0x1  }
0x97: {  	s18 =	sld [smem:$0x3FFB];
	_ =	sdelay $0x3  }
0x98: {  	_ =	strace s18  }
0x99: {  	s2 =	sld [smem:$0x3FFC];
	_ =	sdelay $0x3  }
0x9a: {  	_ =	strace s2  }
0x9b: {  	s2 =	sld [smem:$0x3FFD];
	_ =	sdelay $0x3  }
0x9c: {  	_ =	strace s2  }
0x9d: {  	_ =	strace $0x8FFFFFFF  }
0x9e: {  	s19 =	sld [smem:$0x3FDB];
	_ =	sdelay $0x1  }
0x9f: {  	s20 =	simm.s32 $_scs_section_size  }
0xa0: {  	s5 =	simm.s32 $_size__tile_overlayer_lowered;
	s6 =	simm.s32 $_tile_overlayer_lowered  }
0xa1: {  	s7 =	simm.s32 $0x1BFF;
	s21 =	sshll.u32 s6, $0x1;
	s4 =	sadd.s32 s20, s19  }
0xa2: {  	s22 =	simm.s32 $0x0;
	s5 =	sshll.u32 s5, $0x1;
	s6 =	sadd.s32 s21, s4  }
0xa3: {  	[timem:s22], [sflag:s7] =	dma.local [hbm:s6], s5  }
0xa4: {  	_ =	swait.ge [sflag:s7], s5  }
0xa5: {  	s5 =	ssub.s32 $0x0, s5;
	[sflag:s7] =	ssyncset.done $0x0  }
0xa6: {  	[sflag:s7] =	ssyncadd.s32 s5;
	_ =	sdelay $0x1  }
0xa7: {  	s23 =	simm.s32 $0x1B8B  }
0xa8: {  	_ =	swait.ge [sflag:s23], $0x1  }
0xa9: {  	[sflag:s23] =	ssyncset.done $0x0  }
0xaa: {  	[sflag:s23] =	ssyncadd.s32 $0xFFFFFFFF  }
0xab: {  	s5 =	sld [smem:$0x0]  }
0xac: {  	s6 =	sand.u32 $0xFFFFFFFE, s1  }
0xad: {  	p0 =	sne.s32 s1, s6  }
0xae: {  	s6 =	sshll.u32 @p0 s6, $0xE  }
0xaf: {  	s6 =	sadd.s32 @p0 $0x11B8D, s6;
	s7 =	sshll.u32 @p0 s5, $0x11  }
0xb0: {  	s6 =	sor.u32 @p0 s7, s6  }
0xb1: {  	[sflag:s6] =	ssyncadd.remote.s32 @p0 $0x1;
	_ =	sdelay $0x1  }
0xb2: {  	s6 =	simm.s32 @p0 $0x1B8D  }
0xb3: {  	_ =	swait.eq @p0 [sflag:s6], $0x1  }
0xb4: {  	[sflag:s6] =	ssyncadd.s32 @p0 $0xFFFFFFFF  }
0xb5: {  	s7 =	sshll.u32 @!p0 s1, $0xE  }
0xb6: {  	s7 =	sor.u32 @!p0 $0x4000, s7;
	s6 =	simm.s32 @!p0 $0x1B8D  }
0xb7: {  	s5 =	sshll.u32 @!p0 s5, $0x11;
	s7 =	sadd.s32 @!p0 $0x11B8D, s7;
	_ =	swait.eq @!p0 [sflag:s6], $0x1  }
0xb8: {  	s5 =	sor.u32 @!p0 s5, s7;
	[sflag:s6] =	ssyncadd.s32 @!p0 $0xFFFFFFFF  }
0xb9: {  	s25 =	simm.s32 $0x1B8E;
	s24 =	sld [smem:$0x3FFE];
	[sflag:s5] =	ssyncadd.remote.s32 @!p0 $0x1  }
0xba: {  	s26 =	simm.s32 $execute0_lowered;
	[smem:$0x3FD2] =	sst s25  }
0xbb: {  	s6 =	sshll.u32 s26, $0x1;
	_ =	strace $0x8000004C;
	[dreg:$0x1] =	wrdreg $0xFFFFFFFF  }
0xbc: {  	s28 =	simm.s32 $_size_execute0_lowered;
	s4 =	sadd.s32 s4, s6;
	[dreg:$0x0] =	wrdreg $0x0  }
0xbd: {  	s6 =	sshll.u32 s28, $0x1;
	[dreg:$0x2] =	wrdreg s4  }
0xbe: {  	[dreg:$0x3] =	wrdreg s6  }
0xbf: {  	[dreg:$0x4] =	wrdreg $0xC0  }
0xc0: {  	_ =	task [dreg:s22], $0x5FFFF  }
0xc1: {  	[dreg:$0x1] =	wrdreg $0xFFFFFFFF  }
0xc2: {  	[dreg:$0x0] =	wrdreg $0x60  }
0xc3: {  	[dreg:$0x2] =	wrdreg s24  }
0xc4: {  	[dreg:$0x3] =	wrdreg s17  }
0xc5: {  	[dreg:$0x4] =	wrdreg $0x44000  }
0xc6: {  	[dreg:$0x5] =	wrdreg $0xA  }
0xc7: {  	_ =	task.clear_ibuf [dreg:s22], $0x6FFFF;
	_ =	strace $0x9000004C  }
0xc8: {  	s29 =	simm.s32 $0xA;
	_ =	strace $0x8000004E  }
0xc9: {  	_ =	swait.ge [sflag:s29], $0x1  }
0xca: {  	[sflag:s29] =	ssyncadd.s32 $0xFFFFFFFF  }
0xcb: {  	_ =	strace $0x9000004E  }
0xcc: {  	_ =	sfence  }
0xcd: {  	s30 =	sld [smem:$0x0];
	_ =	sdelay $0x2  }
0xce: {  	s31 =	sshll.u32 s1, $0xD;
	s1 =	sshrl.u32 s1, $0x2  }
0xcf: {  	s4 =	sand.u32 $0x4000, s31;
	s1 =	sadd.s32 s1, s30  }
0xd0: {  	s0 =	sor.u32 s4, s0;
	s1 =	sshll.u32 s1, $0x11  }
0xd1: {  	s0 =	sor.u32 s1, s0  }
0xd2: {  	s0 =	sadd.s32 $0x8F2B, s0  }
0xd3: {  	[sflag:s0] =	ssyncadd.remote.s32 $0x1  }
0xd4: {  	_ =	sfence.sel $0xFFFF  }
0xd5: {  	[dreg:$0x0] =	wrdreg $0xFFFFFFFF;
	(pc) =	sbr.abs _section_cstart, $3  }
0xd6: {  	[dreg:$0x1] =	wrdreg $0xFFFFFFFF  }
0xd7: {  	_ =	task.clear_ibuf [dreg:s22], $0x2FFFF;
	_ =	strace $0x9FFFFFFF  }
0xd8: {  	(tm) =	ssettm $0x7FFFFFFF  }
0xd9: {  	_ =	shalt  }
tec
execute0_lowered:
.L_overlay_start_1:
0x0: {  	(tag) =	ssettag $0x1  }
0x1: {  	s5 =	rddreg [dreg:$0x0];
	s0 =	stileid.u32  }
0x2: {  	s1 =	srdreg.scid;
	s2 =	rddreg [dreg:$0x1]  }
0x3: {  	s3 =	rddreg [dreg:$0x2];
	s6 =	smul.u32 $0x32000, s0  }
0x4: {  	s4 =	simm.s32 $0x0;
	s13 =	simm.s32 $0x400;
	s8 =	smul.u32 $0x19000, s0  }
0x5: {  	s7 =	sand.u32 $0x1, s1;
	s1 =	rddreg [dreg:$0x3];
	s10 =	smul.u32 $0x18800, s0  }
0x6: {  	s14 =	simm.s32 $0x0;
	[smem:$0x7FF] =	sst s4;
	s9 =	smul.u32 $0xC800, s7  }
0x7: {  	s30 =	sshll.u32 s0, $0x6;
	s11 =	smul.u32 $0x188000, s7;
	_ =	strace $0x8000004D  }
0x8: {  	s24 =	ssub.s32 $0x2, s7;
	s31 =	smul.u32 $0x19000, s7;
	s12 =	sadd.s32 s6, s5  }
0x9: {  	s28 =	sshrl.u32 s24, $0x1;
	s22 =	sadd.s32 s9, s8;
	s23 =	sadd.s32 s10, s11  }
0xa: {  	s29 =	ssub.s32 s24, s28;
	s10 =	sadd.s32 s10, s3;
	s9 =	sadd.s32 s31, s12  }
0xb: {  	s11 =	simm.s32 $0x1;
	s12 =	simm.s32 $0x4000;
	s6 =	sshrl.u32 s22, $0x3  }
0xc: {  	s8 =	sshrl.u32 s23, $0x3;
	s7 =	smax.u32 s29, $0x1;
	s9 =	sadd.s32 $0x85EA00, s9  }
0xd: {  	s10 =	sshrl.u32 s10, $0x3;
	s25 =	sadd.s32 s6, s5;
	s26 =	sadd.s32 s8, s5  }
0xe: {  	s5 =	sor.u32 $0x1C01, s30;
	s6 =	sadd.s32 $0xFBA00, s26;
	s8 =	sadd.s32 $0x35200, s25  }
.LBB2_1:
0xf: {  	[spmem:s10], [sflag:s5] =	dma.local [hbm:s2], $0x3100  }
0x10: {  	_ =	swait.ge [sflag:s11], $0x3100  }
0x11: {  	[sflag:s11] =	ssyncset.done $0x0  }
0x12: {  	[sflag:s11] =	ssyncadd.s32 $0xFFFFCF00  }
0x13: {  	[bflag:$0x0] =	sbarrier.arrive $0xFFFF  }
0x14: {  	[tilespmem:s4], [sflag:$0x1] =	stream.linear.gather [hbm4b:s9+s4], $0x4000, $0x38;
	[tilespmem:$0x1CC00] =	vst v63  }
0x15: {  	_ =	swait.ge [sflag:s11], $0x4000  }
0x16: {  	[sflag:s11] =	ssyncset.done $0x0  }
0x17: {  	s15 =	sadd.s32 $0x0, s8;
	[sflag:s11] =	ssyncadd.s32 $0xFFFFC000  }
0x18: {  	[tilespmem:s12], [sflag:$0x1] =	stream.linear.gather [hbm4b:s15+s4], $0x400, $0x38;
	[tilespmem:$0x1CC00] =	vst v63  }
0x19: {  	_ =	swait.ge [sflag:s11], $0x400  }
0x1a: {  	[sflag:s11] =	ssyncset.done $0x0  }
0x1b: {  	[sflag:s11] =	ssyncadd.s32 $0xFFFFFC00  }
0x1c: {  	[spmem:s3] =	stream.indirect.scatter.add.f32 [tilespmem:s4], [sflag:$0x1], $0x10, s12, s13, $0xb8;
	[tilespmem:$0x1CC00] =	vst v63  }
0x1d: {  	_ =	swait.ge [sflag:s11], $0x4000  }
0x1e: {  	s16 =	smov.u32 s9;
	s15 =	simm.s32 $0x80;
	[sflag:s11] =	ssyncset.done $0x0  }
.LBB2_2:
0x1f: {  	p0 =	sne.s32 s15, $0x1880;
	[sflag:s11] =	ssyncadd.s32 $0xFFFFC000;
	s16 =	sadd.s32 $0x800, s16  }
0x20: {  	[tilespmem:s4], [sflag:$0x1] =	stream.linear.gather [hbm4b:s16+s4], $0x4000, $0x38;
	[tilespmem:$0x1CC00] =	vst v63  }
0x21: {  	s17 =	smov.u32 s15;
	s15 =	sadd.s32 $0x80, s15;
	_ =	swait.ge [sflag:s11], $0x4000  }
0x22: {  	[sflag:s11] =	ssyncset.done $0x0  }
0x23: {  	s17 =	sadd.s32 s17, s8;
	[sflag:s11] =	ssyncadd.s32 $0xFFFFC000  }
0x24: {  	[tilespmem:s12], [sflag:$0x1] =	stream.linear.gather [hbm4b:s17+s4], $0x400, $0x38;
	[tilespmem:$0x1CC00] =	vst v63  }
0x25: {  	_ =	swait.ge [sflag:s11], $0x400  }
.Ltmp0:
0x26: {  	[sflag:s11] =	ssyncset.done $0x0;
	(pc) =	sbr.rel @p0 .LBB2_2-.Ltmp0, $4  }
0x27: {  	[sflag:s11] =	ssyncadd.s32 $0xFFFFFC00  }
0x28: {  	[spmem:s3] =	stream.indirect.scatter.add.f32 [tilespmem:s4], [sflag:$0x1], $0x10, s12, s13, $0xb8;
	[tilespmem:$0x1CC00] =	vst v63  }
0x29: {  	_ =	swait.ge [sflag:s11], $0x4000  }
0x2a: {  	[sflag:s11] =	ssyncset.done $0x0  }
0x2b: {  	s14 =	sadd.s32 $0x1, s14  }
0x2c: {  	[sflag:s11] =	ssyncadd.s32 $0xFFFFC000;
	p0 =	sne.s32 s14, s7  }
.Ltmp1:
0x2d: {  	[bflag:$0x0] =	sbarrier.arrive $0xFFFF;
	(pc) =	sbr.rel @p0 .LBB2_1-.Ltmp1, $4  }
0x2e: {  	[hbm:s6], [sflag:s5] =	dma.local [spmem:s10], $0x3100  }
0x2f: {  	_ =	swait.ge [sflag:s11], $0x3100  }
0x30: {  	[sflag:s11] =	ssyncset.done $0x0  }
0x31: {  	[sflag:s11] =	ssyncadd.s32 $0xFFFFCF00  }
0x32: {  	_ =	sfence.sel $0x180000  }
0x33: {  	[bflag:$0x0] =	sbarrier.arrive $0xFFFF  }
0x34: {  	p0 =	sne.s32 s0, $0x0;
	_ =	strace $0x9000004D  }
0x35: {  	s0 =	sadd.s32 @!p0 $0x100000, s1;
	[bflag:$0x2] =	sbarrier.arrive $0xFFFF  }
0x36: {  	[sflag:s0] =	ssyncadd.tile.s32 @!p0 $0x1;
	_ =	shalt  }
.Lfunc_end2:
_tile_overlayer_lowered:
.L_overlay_start_2:
0x37: {  	(tag) =	ssettag $0x2  }
0x38: {  	s0 =	rddreg [dreg:$0x0];
	s2 =	stileid.u32  }
0x39: {  	s1 =	rddreg [dreg:$0x1];
	p0 =	sne.s32 s2, $0x0  }
0x3a: {  	s3 =	rddreg [dreg:$0x2];
	[bflag:$0x3] =	sbarrier.arrive $0xFFFF;
	s2 =	simm.s32 @!p0 $0x1C01  }
0x3b: {  	[timem:s3], [sflag:s2] =	dma.local @!p0 [hbm:s0], s1  }
0x3c: {  	s0 =	simm.s32 @!p0 $0x1  }
0x3d: {  	_ =	swait.ge @!p0 [sflag:s0], s1  }
0x3e: {  	s1 =	ssub.s32 @!p0 $0x0, s1;
	[sflag:s0] =	ssyncset.done @!p0 $0x0  }
0x3f: {  	[sflag:s0] =	ssyncadd.s32 @!p0 s1  }
0x40: {  	[bflag:$0x3] =	sbarrier.arrive $0xFFFF  }
0x41: {  	_ =	shalt  }

// kernel: kernel.13.cloned.1.call-start
scs
__scs_entry_jumppad:
0x0: {  	(pc) =	sbr.rel $0x88, $3  }
0x1: {  	(tag) =	ssettag $0x0;
	lr =	simm.s32 $0x1  }
0x2: {  	[smem:$0x3F95] =	sst lr;
	_ =	strace $0xD0000000  }
0x3: {  	_ = 	snop  }
0x4: {  	_ = 	snop  }
0x5: {  	_ = 	snop  }
0x6: {  	_ = 	snop  }
0x7: {  	_ = 	snop  }
__scs_overlays_trampoline_lowered:
0x8: {  	[smem:$0x3FA4] =	sst s0  }
0x9: {  	[smem:$0x3FA5] =	sst s1  }
0xa: {  	[smem:$0x3FA6] =	sst s2  }
0xb: {  	[smem:$0x3FA7] =	sst s3  }
0xc: {  	[smem:$0x3FA8] =	sst s4  }
0xd: {  	[smem:$0x3FA9] =	sst s5  }
0xe: {  	[smem:$0x3FAA] =	sst s6  }
0xf: {  	[smem:$0x3FAB] =	sst s7  }
0x10: {  	[smem:$0x3FAC] =	sst s8  }
0x11: {  	[smem:$0x3FAD] =	sst s9;
	s0 =	simm.s32 @!p0 $0x0  }
0x12: {  	s1 =	sld [smem:$0x3F93];
	s0 =	simm.s32 @p0 $0x1  }
0x13: {  	[smem:$0x3FAE] =	sst s0;
	s0 =	simm.s32 @!p1 $0x0  }
0x14: {  	s2 =	sld [smem:$0x3F92];
	s0 =	simm.s32 @p1 $0x1  }
0x15: {  	[smem:$0x3FAF] =	sst s0;
	s0 =	simm.s32 @!p2 $0x0  }
0x16: {  	s3 =	sld [smem:$0x3FDB];
	s0 =	simm.s32 @p2 $0x1  }
0x17: {  	s4 =	simm.s32 $0x1BF5;
	[smem:$0x3FB1] =	sst s0  }
0x18: {  	s0 =	sld [smem:$0x3F94];
	_ =	swait.ge [sflag:s4], $0x0  }
0x19: {  	s7 =	sld [smem:$0x3F95]  }
0x1a: {  	s8 =	sadd.s32 $0xFFFFE003, lr  }
0x1b: {  	s9 =	sadd.s32 $0xFFFFFEF7, lr;
	s5 =	simm.s32 $0xFFFFFFFF;
	p2 =	slt.u32 s8, $0xFFFFF086  }
0x1c: {  	p1 =	slt.u32 s9, $0xF7A;
	s5 =	simm.s32 @!p2 $0x0  }
0x1d: {  	s5 =	simm.s32 @p1 $0x1;
	p0 =	seq.s32 s7, s2  }
0x1e: {  	s7 =	smul.u32 @!p0 $0xF7A, s2;
	p2 =	seq.s32 @!p0 s5, $0x0  }
0x1f: {  	s9 =	smul.u32 $0xF7A, s1;
	s8 =	simm.s32 @!p0 $0x1BF5;
	p2 =	por !p2, p0  }
0x20: {  	[sflag:s8] =	ssyncset.s32 @!p0 $0xFFFFF086;
	s6 =	sadd.s32 @!p0 s3, s7;
	s7 =	simm.s32 @!p0 $0x108  }
0x21: {  	s3 =	sadd.s32 s3, s9;
	s6 =	sadd.s32 @!p0 $0x88, s6;
	s7 =	simm.s32 @p2 $0x1082  }
0x22: {  	[simem:s7], [sflag:s8] =	dma.local @!p0 [hbm:s6], $0xF7A  }
0x23: {  	s9 =	sor.u32 $0xD0000000, s2;
	s6 =	simm.s32 $0x108;
	_ =	swait.ge @!p0 [sflag:s8], $0x0  }
0x24: {  	s3 =	sadd.s32 $0x88, s3;
	s6 =	simm.s32 @!p1 $0x1082;
	[sflag:s4] =	ssyncset.s32 $0xFFFFF086  }
0x25: {  	[simem:s6], [sflag:s4] =	dma.local [hbm:s3], $0xF7A  }
0x26: {  	[smem:$0x3F95] =	sst s1;
	(tag) =	ssettag s2;
	_ =	strace s9  }
0x27: {  	s1 =	sld [smem:$0x3FA5]  }
0x28: {  	s2 =	sld [smem:$0x3FA6]  }
0x29: {  	s4 =	sld [smem:$0x3FA8]  }
0x2a: {  	p0 =	seq.s32 s5, $0x0;
	s5 =	sld [smem:$0x3FA9]  }
0x2b: {  	s6 =	sld [smem:$0x3FAA]  }
0x2c: {  	s7 =	sld [smem:$0x3FAB]  }
0x2d: {  	s3 =	simm.s32 $0x108;
	s8 =	sld [smem:$0x3FAC]  }
0x2e: {  	s3 =	simm.s32 @!p0 $0x1082;
	s9 =	sld [smem:$0x3FAD]  }
0x2f: {  	lr =	sadd.s32 s0, s3;
	s0 =	sld [smem:$0x3FA4]  }
0x30: {  	s3 =	sld [smem:$0x3FA7]  }
0x31: {  	[smem:$0x3FB0] =	sst s10  }
0x32: {  	s10 =	sld [smem:$0x3FAE];
	_ =	sdelay $0x3  }
0x33: {  	p0 =	seq.s32 s10, $0x1;
	s10 =	sld [smem:$0x3FB0];
	_ =	sdelay $0x3  }
0x34: {  	[smem:$0x3FB0] =	sst s10  }
0x35: {  	s10 =	sld [smem:$0x3FAF];
	_ =	sdelay $0x3  }
0x36: {  	p1 =	seq.s32 s10, $0x1;
	s10 =	sld [smem:$0x3FB0];
	_ =	sdelay $0x3  }
0x37: {  	[smem:$0x3FB0] =	sst s10  }
0x38: {  	s10 =	sld [smem:$0x3FB1]  }
0x39: {  	_ = 	snop;
	(pc) =	sbr.ind lr, $3  }
0x3a: {  	_ = 	snop  }
0x3b: {  	_ = 	snop  }
0x3c: {  	p2 =	seq.s32 s10, $0x1;
	s10 =	sld [smem:$0x3FB0]  }
0x3d: {  	_ =	shalt  }
0x3e: {  	_ =	shalt  }
0x3f: {  	_ =	shalt  }
0x40: {  	_ =	shalt  }
0x41: {  	_ =	shalt  }
0x42: {  	_ =	shalt  }
0x43: {  	_ =	shalt  }
0x44: {  	_ =	shalt  }
0x45: {  	_ =	shalt  }
0x46: {  	_ =	shalt  }
0x47: {  	_ =	shalt  }
0x48: {  	_ =	shalt  }
0x49: {  	_ =	shalt  }
0x4a: {  	_ =	shalt  }
0x4b: {  	_ =	shalt  }
0x4c: {  	_ =	shalt  }
0x4d: {  	_ =	shalt  }
0x4e: {  	_ =	shalt  }
0x4f: {  	_ =	shalt  }
0x50: {  	_ =	shalt  }
0x51: {  	_ =	shalt  }
0x52: {  	_ =	shalt  }
0x53: {  	_ =	shalt  }
0x54: {  	_ =	shalt  }
0x55: {  	_ =	shalt  }
0x56: {  	_ =	shalt  }
0x57: {  	_ =	shalt  }
0x58: {  	_ =	shalt  }
0x59: {  	_ =	shalt  }
0x5a: {  	_ =	shalt  }
0x5b: {  	_ =	shalt  }
0x5c: {  	_ =	shalt  }
0x5d: {  	_ =	shalt  }
0x5e: {  	_ =	shalt  }
0x5f: {  	_ =	shalt  }
0x60: {  	_ =	shalt  }
0x61: {  	_ =	shalt  }
0x62: {  	_ =	shalt  }
0x63: {  	_ =	shalt  }
0x64: {  	_ =	shalt  }
0x65: {  	_ =	shalt  }
0x66: {  	_ =	shalt  }
0x67: {  	_ =	shalt  }
0x68: {  	_ =	shalt  }
0x69: {  	_ =	shalt  }
0x6a: {  	_ =	shalt  }
0x6b: {  	_ =	shalt  }
0x6c: {  	_ =	shalt  }
0x6d: {  	_ =	shalt  }
0x6e: {  	_ =	shalt  }
0x6f: {  	_ =	shalt  }
0x70: {  	_ =	shalt  }
0x71: {  	_ =	shalt  }
0x72: {  	_ =	shalt  }
0x73: {  	_ =	shalt  }
0x74: {  	_ =	shalt  }
0x75: {  	_ =	shalt  }
0x76: {  	_ =	shalt  }
0x77: {  	_ =	shalt  }
0x78: {  	_ =	shalt  }
0x79: {  	_ =	shalt  }
0x7a: {  	_ =	shalt  }
0x7b: {  	_ =	shalt  }
0x7c: {  	_ =	shalt  }
0x7d: {  	_ =	shalt  }
0x7e: {  	_ =	shalt  }
0x7f: {  	_ =	shalt  }
0x80: {  	_ =	shalt  }
0x81: {  	_ =	shalt  }
0x82: {  	_ =	shalt  }
0x83: {  	_ =	shalt  }
0x84: {  	_ =	shalt  }
0x85: {  	_ =	shalt  }
0x86: {  	_ =	shalt  }
0x87: {  	_ =	shalt  }
.Lfunc_end0:
.L_simem_size_0:
called_computation.2_lowered:
.L_overlay_start_0:
0x88: {  	s2 =	sld [smem:$0x3FD9]  }
0x89: {  	s3 =	sld [smem:$0x3FFE];
	_ =	sdelay $0x1  }
0x8a: {  	s1 =	srdreg.scid  }
0x8b: {  	s0 =	sand.u32 $0x1, s1  }
0x8c: {  	s15 =	sshll.u32 s0, $0xA;
	s2 =	sadd.s32 s3, s2  }
0x8d: {  	s2 =	sadd.s32 s2, s15  }
0x8e: {  	[smem:$0x3FBC] =	sst s2  }
0x8f: {  	_ = 	snop  }
0x90: {  	s2 =	sld [smem:$0x3FD0];
	_ =	sdelay $0x2  }
0x91: {  	s16 =	simm.s32 $0xB;
	s4 =	simm.s32 $0x10  }
0x92: {  	[smem:s4], [sflag:s16] =	dma.local [hbm:s2], $0x1  }
0x93: {  	_ =	swait.eq [sflag:s16], $0x1  }
0x94: {  	[sflag:s16] =	ssyncset.done $0x0  }
0x95: {  	[sflag:s16] =	ssyncadd.s32 $0xFFFFFFFF  }
0x96: {  	s17 =	sld [smem:$0x11];
	(tm) =	ssettm $0x1  }
0x97: {  	s18 =	sld [smem:$0x3FFB];
	_ =	sdelay $0x3  }
0x98: {  	_ =	strace s18  }
0x99: {  	s2 =	sld [smem:$0x3FFC];
	_ =	sdelay $0x3  }
0x9a: {  	_ =	strace s2  }
0x9b: {  	s2 =	sld [smem:$0x3FFD];
	_ =	sdelay $0x3  }
0x9c: {  	_ =	strace s2  }
0x9d: {  	_ =	strace $0x8FFFFFFF  }
0x9e: {  	s19 =	sld [smem:$0x3FDB];
	_ =	sdelay $0x1  }
0x9f: {  	s20 =	simm.s32 $_scs_section_size  }
0xa0: {  	s5 =	simm.s32 $_size__tile_overlayer_lowered;
	s6 =	simm.s32 $_tile_overlayer_lowered  }
0xa1: {  	s7 =	simm.s32 $0x1BFF;
	s21 =	sshll.u32 s6, $0x1;
	s4 =	sadd.s32 s20, s19  }
0xa2: {  	s22 =	simm.s32 $0x0;
	s5 =	sshll.u32 s5, $0x1;
	s6 =	sadd.s32 s21, s4  }
0xa3: {  	[timem:s22], [sflag:s7] =	dma.local [hbm:s6], s5  }
0xa4: {  	_ =	swait.ge [sflag:s7], s5  }
0xa5: {  	s5 =	ssub.s32 $0x0, s5;
	[sflag:s7] =	ssyncset.done $0x0  }
0xa6: {  	[sflag:s7] =	ssyncadd.s32 s5;
	_ =	sdelay $0x1  }
0xa7: {  	s23 =	simm.s32 $0x1B8B  }
0xa8: {  	_ =	swait.ge [sflag:s23], $0x1  }
0xa9: {  	[sflag:s23] =	ssyncset.done $0x0  }
0xaa: {  	[sflag:s23] =	ssyncadd.s32 $0xFFFFFFFF  }
0xab: {  	s5 =	sld [smem:$0x0]  }
0xac: {  	s6 =	sand.u32 $0xFFFFFFFE, s1  }
0xad: {  	p0 =	sne.s32 s1, s6  }
0xae: {  	s6 =	sshll.u32 @p0 s6, $0xE  }
0xaf: {  	s6 =	sadd.s32 @p0 $0x11B8D, s6;
	s7 =	sshll.u32 @p0 s5, $0x11  }
0xb0: {  	s6 =	sor.u32 @p0 s7, s6  }
0xb1: {  	[sflag:s6] =	ssyncadd.remote.s32 @p0 $0x1;
	_ =	sdelay $0x1  }
0xb2: {  	s6 =	simm.s32 @p0 $0x1B8D  }
0xb3: {  	_ =	swait.eq @p0 [sflag:s6], $0x1  }
0xb4: {  	[sflag:s6] =	ssyncadd.s32 @p0 $0xFFFFFFFF  }
0xb5: {  	s7 =	sshll.u32 @!p0 s1, $0xE  }
0xb6: {  	s7 =	sor.u32 @!p0 $0x4000, s7;
	s6 =	simm.s32 @!p0 $0x1B8D  }
0xb7: {  	s5 =	sshll.u32 @!p0 s5, $0x11;
	s7 =	sadd.s32 @!p0 $0x11B8D, s7;
	_ =	swait.eq @!p0 [sflag:s6], $0x1  }
0xb8: {  	s5 =	sor.u32 @!p0 s5, s7;
	[sflag:s6] =	ssyncadd.s32 @!p0 $0xFFFFFFFF  }
0xb9: {  	s25 =	simm.s32 $0x1B8E;
	s24 =	sld [smem:$0x3FFE];
	[sflag:s5] =	ssyncadd.remote.s32 @!p0 $0x1  }
0xba: {  	s26 =	simm.s32 $execute0_lowered;
	[smem:$0x3FD2] =	sst s25  }
0xbb: {  	s6 =	sshll.u32 s26, $0x1;
	_ =	strace $0x80000049;
	[dreg:$0x1] =	wrdreg $0xFFFFFFFF  }
0xbc: {  	s28 =	simm.s32 $_size_execute0_lowered;
	s4 =	sadd.s32 s4, s6;
	[dreg:$0x0] =	wrdreg $0x0  }
0xbd: {  	s6 =	sshll.u32 s28, $0x1;
	[dreg:$0x2] =	wrdreg s4  }
0xbe: {  	[dreg:$0x3] =	wrdreg s6  }
0xbf: {  	[dreg:$0x4] =	wrdreg $0xC0  }
0xc0: {  	_ =	task [dreg:s22], $0x5FFFF  }
0xc1: {  	[dreg:$0x1] =	wrdreg $0xFFFFFFFF  }
0xc2: {  	[dreg:$0x0] =	wrdreg $0x60  }
0xc3: {  	[dreg:$0x2] =	wrdreg s24  }
0xc4: {  	[dreg:$0x3] =	wrdreg s17  }
0xc5: {  	[dreg:$0x4] =	wrdreg $0x44000  }
0xc6: {  	[dreg:$0x5] =	wrdreg $0x9  }
0xc7: {  	_ =	task.clear_ibuf [dreg:s22], $0x6FFFF;
	_ =	strace $0x90000049  }
0xc8: {  	s29 =	simm.s32 $0x9;
	_ =	strace $0x8000004B  }
0xc9: {  	_ =	swait.ge [sflag:s29], $0x1  }
0xca: {  	[sflag:s29] =	ssyncadd.s32 $0xFFFFFFFF  }
0xcb: {  	_ =	strace $0x9000004B  }
0xcc: {  	_ =	sfence  }
0xcd: {  	s30 =	sld [smem:$0x0];
	_ =	sdelay $0x2  }
0xce: {  	s31 =	sshll.u32 s1, $0xD;
	s1 =	sshrl.u32 s1, $0x2  }
0xcf: {  	s4 =	sand.u32 $0x4000, s31;
	s1 =	sadd.s32 s1, s30  }
0xd0: {  	s0 =	sor.u32 s4, s0;
	s1 =	sshll.u32 s1, $0x11  }
0xd1: {  	s0 =	sor.u32 s1, s0  }
0xd2: {  	s0 =	sadd.s32 $0x8F2B, s0  }
0xd3: {  	[sflag:s0] =	ssyncadd.remote.s32 $0x1  }
0xd4: {  	_ =	sfence.sel $0xFFFF  }
0xd5: {  	[dreg:$0x0] =	wrdreg $0xFFFFFFFF;
	(pc) =	sbr.abs _section_cstart, $3  }
0xd6: {  	[dreg:$0x1] =	wrdreg $0xFFFFFFFF  }
0xd7: {  	_ =	task.clear_ibuf [dreg:s22], $0x2FFFF;
	_ =	strace $0x9FFFFFFF  }
0xd8: {  	(tm) =	ssettm $0x7FFFFFFF  }
0xd9: {  	_ =	shalt  }
tec
execute0_lowered:
.L_overlay_start_1:
0x0: {  	(tag) =	ssettag $0x1  }
0x1: {  	s6 =	rddreg [dreg:$0x0];
	s1 =	srdreg.scid  }
0x2: {  	s0 =	stileid.u32;
	s2 =	rddreg [dreg:$0x1]  }
0x3: {  	s3 =	rddreg [dreg:$0x2];
	s4 =	simm.s32 $0x0;
	s7 =	smul.u32 $0x19000, s0  }
0x4: {  	s12 =	simm.s32 $0x400;
	s5 =	sand.u32 $0x1, s1;
	s9 =	smul.u32 $0x18800, s0  }
0x5: {  	s13 =	simm.s32 $0x0;
	s1 =	rddreg [dreg:$0x3];
	s8 =	smul.u32 $0xC800, s5  }
0x6: {  	[smem:$0x7FF] =	sst s4;
	s30 =	sshll.u32 s0, $0x6;
	s26 =	smul.u32 $0x188000, s5  }
0x7: {  	_ =	strace $0x8000004A;
	s29 =	ssub.s32 $0x2, s5;
	s5 =	sadd.s32 $0x99200, s6  }
0x8: {  	s11 =	sshrl.u32 s29, $0x1;
	s31 =	sadd.s32 s9, s3;
	s7 =	sadd.s32 s8, s7  }
0x9: {  	s28 =	sadd.s32 s9, s26;
	s8 =	ssub.s32 s29, s11;
	s7 =	sshrl.u32 s7, $0x3  }
0xa: {  	s11 =	simm.s32 $0x1;
	s10 =	sadd.s32 s7, s6;
	s7 =	sshrl.u32 s28, $0x3  }
0xb: {  	s8 =	smax.u32 s8, $0x1;
	s7 =	sadd.s32 s7, s6;
	s6 =	sor.u32 $0x1C01, s30  }
0xc: {  	s9 =	sadd.s32 $0x35200, s10;
	s10 =	sshrl.u32 s31, $0x3;
	s7 =	sadd.s32 $0x99A00, s7  }
.LBB2_1:
0xd: {  	[spmem:s10], [sflag:s6] =	dma.local [hbm:s2], $0x3100  }
0xe: {  	_ =	swait.ge [sflag:s11], $0x3100  }
0xf: {  	[sflag:s11] =	ssyncset.done $0x0  }
0x10: {  	[sflag:s11] =	ssyncadd.s32 $0xFFFFCF00  }
0x11: {  	[tilespmem:s12], [sflag:$0x1] =	stream.linear.gather [hbm4b:s5+s4], $0x4000, $0x38;
	[tilespmem:$0x1CC00] =	vst v63  }
0x12: {  	_ =	swait.ge [sflag:s11], $0x4000  }
0x13: {  	[sflag:s11] =	ssyncset.done $0x0  }
0x14: {  	[sflag:s11] =	ssyncadd.s32 $0xFFFFC000  }
0x15: {  	s14 =	sadd.s32 $0x0, s9;
	[bflag:$0x0] =	sbarrier.arrive $0xFFFF  }
0x16: {  	[tilespmem:s4], [sflag:$0x1] =	stream.linear.gather [hbm4b:s14+s4], $0x400, $0x38;
	[tilespmem:$0x1CC00] =	vst v63  }
0x17: {  	_ =	swait.ge [sflag:s11], $0x400  }
0x18: {  	[sflag:s11] =	ssyncset.done $0x0  }
0x19: {  	[sflag:s11] =	ssyncadd.s32 $0xFFFFFC00  }
0x1a: {  	[spmem:s3] =	stream.indirect.scatter.add.f32 [tilespmem:s12], [sflag:$0x1], $0x10, s4, s12, $0xb8;
	[tilespmem:$0x1CC00] =	vst v63  }
0x1b: {  	_ =	swait.ge [sflag:s11], $0x4000  }
0x1c: {  	s15 =	simm.s32 $0x100;
	s14 =	simm.s32 $0x80;
	[sflag:s11] =	ssyncset.done $0x0  }
.LBB2_2:
0x1d: {  	s16 =	sadd.s32 s14, s9  }
0x1e: {  	[sflag:s11] =	ssyncadd.s32 $0xFFFFC000;
	s14 =	smov.u32 s15;
	s17 =	sadd.s32 $0x80, s15  }
0x1f: {  	[tilespmem:s4], [sflag:$0x1] =	stream.linear.gather [hbm4b:s16+s4], $0x400, $0x38;
	[tilespmem:$0x1CC00] =	vst v63  }
0x20: {  	p0 =	sne.s32 s15, $0x1880;
	_ =	swait.ge [sflag:s11], $0x400  }
.Ltmp0:
0x21: {  	[sflag:s11] =	ssyncset.done $0x0;
	(pc) =	sbr.rel @p0 .LBB2_2-.Ltmp0, $4  }
0x22: {  	[sflag:s11] =	ssyncadd.s32 $0xFFFFFC00  }
0x23: {  	[spmem:s3] =	stream.indirect.scatter.add.f32 [tilespmem:s12], [sflag:$0x1], $0x10, s4, s12, $0xb8;
	[tilespmem:$0x1CC00] =	vst v63  }
0x24: {  	_ =	swait.ge [sflag:s11], $0x4000  }
0x25: {  	s15 =	smov.u32 s17;
	[sflag:s11] =	ssyncset.done $0x0  }
0x26: {  	s14 =	sadd.s32 s14, s9;
	[sflag:s11] =	ssyncadd.s32 $0xFFFFC000  }
0x27: {  	[tilespmem:s4], [sflag:$0x1] =	stream.linear.gather [hbm4b:s14+s4], $0x400, $0x38;
	[tilespmem:$0x1CC00] =	vst v63  }
0x28: {  	_ =	swait.ge [sflag:s11], $0x400  }
0x29: {  	[sflag:s11] =	ssyncset.done $0x0  }
0x2a: {  	[sflag:s11] =	ssyncadd.s32 $0xFFFFFC00  }
0x2b: {  	[spmem:s3] =	stream.indirect.scatter.add.f32 [tilespmem:s12], [sflag:$0x1], $0x10, s4, s12, $0xb8;
	[tilespmem:$0x1CC00] =	vst v63  }
0x2c: {  	_ =	swait.ge [sflag:s11], $0x4000  }
0x2d: {  	s13 =	sadd.s32 $0x1, s13;
	[sflag:s11] =	ssyncset.done $0x0  }
0x2e: {  	p0 =	sne.s32 s13, s8;
	[sflag:s11] =	ssyncadd.s32 $0xFFFFC000  }
.Ltmp1:
0x2f: {  	[bflag:$0x0] =	sbarrier.arrive $0xFFFF;
	(pc) =	sbr.rel @p0 .LBB2_1-.Ltmp1, $4  }
0x30: {  	[hbm:s7], [sflag:s6] =	dma.local [spmem:s10], $0x3100  }
0x31: {  	_ =	swait.ge [sflag:s11], $0x3100  }
0x32: {  	[sflag:s11] =	ssyncset.done $0x0  }
0x33: {  	[sflag:s11] =	ssyncadd.s32 $0xFFFFCF00  }
0x34: {  	_ =	sfence.sel $0x180000  }
0x35: {  	[bflag:$0x0] =	sbarrier.arrive $0xFFFF  }
0x36: {  	p0 =	sne.s32 s0, $0x0;
	_ =	strace $0x9000004A  }
0x37: {  	s0 =	sadd.s32 @!p0 $0x100000, s1;
	[bflag:$0x2] =	sbarrier.arrive $0xFFFF  }
0x38: {  	[sflag:s0] =	ssyncadd.tile.s32 @!p0 $0x1;
	_ =	shalt  }
.Lfunc_end2:
_tile_overlayer_lowered:
.L_overlay_start_2:
0x39: {  	(tag) =	ssettag $0x2  }
0x3a: {  	s0 =	rddreg [dreg:$0x0];
	s2 =	stileid.u32  }
0x3b: {  	s1 =	rddreg [dreg:$0x1];
	p0 =	sne.s32 s2, $0x0  }
0x3c: {  	s3 =	rddreg [dreg:$0x2];
	[bflag:$0x3] =	sbarrier.arrive $0xFFFF;
	s2 =	simm.s32 @!p0 $0x1C01  }
0x3d: {  	[timem:s3], [sflag:s2] =	dma.local @!p0 [hbm:s0], s1  }
0x3e: {  	s0 =	simm.s32 @!p0 $0x1  }
0x3f: {  	_ =	swait.ge @!p0 [sflag:s0], s1  }
0x40: {  	s1 =	ssub.s32 @!p0 $0x0, s1;
	[sflag:s0] =	ssyncset.done @!p0 $0x0  }
0x41: {  	[sflag:s0] =	ssyncadd.s32 @!p0 s1  }
0x42: {  	[bflag:$0x3] =	sbarrier.arrive $0xFFFF  }
0x43: {  	_ =	shalt  }

// kernel: kernel.7.cloned.1.call-start
scs
__scs_entry_jumppad:
0x0: {  	(pc) =	sbr.rel $0x88, $3  }
0x1: {  	(tag) =	ssettag $0x0;
	lr =	simm.s32 $0x1  }
0x2: {  	[smem:$0x3F95] =	sst lr;
	_ =	strace $0xD0000000  }
0x3: {  	_ = 	snop  }
0x4: {  	_ = 	snop  }
0x5: {  	_ = 	snop  }
0x6: {  	_ = 	snop  }
0x7: {  	_ = 	snop  }
__scs_overlays_trampoline_lowered:
0x8: {  	[smem:$0x3FA4] =	sst s0  }
0x9: {  	[smem:$0x3FA5] =	sst s1  }
0xa: {  	[smem:$0x3FA6] =	sst s2  }
0xb: {  	[smem:$0x3FA7] =	sst s3  }
0xc: {  	[smem:$0x3FA8] =	sst s4  }
0xd: {  	[smem:$0x3FA9] =	sst s5  }
0xe: {  	[smem:$0x3FAA] =	sst s6  }
0xf: {  	[smem:$0x3FAB] =	sst s7  }
0x10: {  	[smem:$0x3FAC] =	sst s8  }
0x11: {  	[smem:$0x3FAD] =	sst s9;
	s0 =	simm.s32 @!p0 $0x0  }
0x12: {  	s1 =	sld [smem:$0x3F93];
	s0 =	simm.s32 @p0 $0x1  }
0x13: {  	[smem:$0x3FAE] =	sst s0;
	s0 =	simm.s32 @!p1 $0x0  }
0x14: {  	s2 =	sld [smem:$0x3F92];
	s0 =	simm.s32 @p1 $0x1  }
0x15: {  	[smem:$0x3FAF] =	sst s0;
	s0 =	simm.s32 @!p2 $0x0  }
0x16: {  	s3 =	sld [smem:$0x3FDB];
	s0 =	simm.s32 @p2 $0x1  }
0x17: {  	s4 =	simm.s32 $0x1BF5;
	[smem:$0x3FB1] =	sst s0  }
0x18: {  	s0 =	sld [smem:$0x3F94];
	_ =	swait.ge [sflag:s4], $0x0  }
0x19: {  	s7 =	sld [smem:$0x3F95]  }
0x1a: {  	s8 =	sadd.s32 $0xFFFFE003, lr  }
0x1b: {  	s9 =	sadd.s32 $0xFFFFFEF7, lr;
	s5 =	simm.s32 $0xFFFFFFFF;
	p2 =	slt.u32 s8, $0xFFFFF086  }
0x1c: {  	p1 =	slt.u32 s9, $0xF7A;
	s5 =	simm.s32 @!p2 $0x0  }
0x1d: {  	s5 =	simm.s32 @p1 $0x1;
	p0 =	seq.s32 s7, s2  }
0x1e: {  	s7 =	smul.u32 @!p0 $0xF7A, s2;
	p2 =	seq.s32 @!p0 s5, $0x0  }
0x1f: {  	s9 =	smul.u32 $0xF7A, s1;
	s8 =	simm.s32 @!p0 $0x1BF5;
	p2 =	por !p2, p0  }
0x20: {  	[sflag:s8] =	ssyncset.s32 @!p0 $0xFFFFF086;
	s6 =	sadd.s32 @!p0 s3, s7;
	s7 =	simm.s32 @!p0 $0x108  }
0x21: {  	s3 =	sadd.s32 s3, s9;
	s6 =	sadd.s32 @!p0 $0x88, s6;
	s7 =	simm.s32 @p2 $0x1082  }
0x22: {  	[simem:s7], [sflag:s8] =	dma.local @!p0 [hbm:s6], $0xF7A  }
0x23: {  	s9 =	sor.u32 $0xD0000000, s2;
	s6 =	simm.s32 $0x108;
	_ =	swait.ge @!p0 [sflag:s8], $0x0  }
0x24: {  	s3 =	sadd.s32 $0x88, s3;
	s6 =	simm.s32 @!p1 $0x1082;
	[sflag:s4] =	ssyncset.s32 $0xFFFFF086  }
0x25: {  	[simem:s6], [sflag:s4] =	dma.local [hbm:s3], $0xF7A  }
0x26: {  	[smem:$0x3F95] =	sst s1;
	(tag) =	ssettag s2;
	_ =	strace s9  }
0x27: {  	s1 =	sld [smem:$0x3FA5]  }
0x28: {  	s2 =	sld [smem:$0x3FA6]  }
0x29: {  	s4 =	sld [smem:$0x3FA8]  }
0x2a: {  	p0 =	seq.s32 s5, $0x0;
	s5 =	sld [smem:$0x3FA9]  }
0x2b: {  	s6 =	sld [smem:$0x3FAA]  }
0x2c: {  	s7 =	sld [smem:$0x3FAB]  }
0x2d: {  	s3 =	simm.s32 $0x108;
	s8 =	sld [smem:$0x3FAC]  }
0x2e: {  	s3 =	simm.s32 @!p0 $0x1082;
	s9 =	sld [smem:$0x3FAD]  }
0x2f: {  	lr =	sadd.s32 s0, s3;
	s0 =	sld [smem:$0x3FA4]  }
0x30: {  	s3 =	sld [smem:$0x3FA7]  }
0x31: {  	[smem:$0x3FB0] =	sst s10  }
0x32: {  	s10 =	sld [smem:$0x3FAE];
	_ =	sdelay $0x3  }
0x33: {  	p0 =	seq.s32 s10, $0x1;
	s10 =	sld [smem:$0x3FB0];
	_ =	sdelay $0x3  }
0x34: {  	[smem:$0x3FB0] =	sst s10  }
0x35: {  	s10 =	sld [smem:$0x3FAF];
	_ =	sdelay $0x3  }
0x36: {  	p1 =	seq.s32 s10, $0x1;
	s10 =	sld [smem:$0x3FB0];
	_ =	sdelay $0x3  }
0x37: {  	[smem:$0x3FB0] =	sst s10  }
0x38: {  	s10 =	sld [smem:$0x3FB1]  }
0x39: {  	_ = 	snop;
	(pc) =	sbr.ind lr, $3  }
0x3a: {  	_ = 	snop  }
0x3b: {  	_ = 	snop  }
0x3c: {  	p2 =	seq.s32 s10, $0x1;
	s10 =	sld [smem:$0x3FB0]  }
0x3d: {  	_ =	shalt  }
0x3e: {  	_ =	shalt  }
0x3f: {  	_ =	shalt  }
0x40: {  	_ =	shalt  }
0x41: {  	_ =	shalt  }
0x42: {  	_ =	shalt  }
0x43: {  	_ =	shalt  }
0x44: {  	_ =	shalt  }
0x45: {  	_ =	shalt  }
0x46: {  	_ =	shalt  }
0x47: {  	_ =	shalt  }
0x48: {  	_ =	shalt  }
0x49: {  	_ =	shalt  }
0x4a: {  	_ =	shalt  }
0x4b: {  	_ =	shalt  }
0x4c: {  	_ =	shalt  }
0x4d: {  	_ =	shalt  }
0x4e: {  	_ =	shalt  }
0x4f: {  	_ =	shalt  }
0x50: {  	_ =	shalt  }
0x51: {  	_ =	shalt  }
0x52: {  	_ =	shalt  }
0x53: {  	_ =	shalt  }
0x54: {  	_ =	shalt  }
0x55: {  	_ =	shalt  }
0x56: {  	_ =	shalt  }
0x57: {  	_ =	shalt  }
0x58: {  	_ =	shalt  }
0x59: {  	_ =	shalt  }
0x5a: {  	_ =	shalt  }
0x5b: {  	_ =	shalt  }
0x5c: {  	_ =	shalt  }
0x5d: {  	_ =	shalt  }
0x5e: {  	_ =	shalt  }
0x5f: {  	_ =	shalt  }
0x60: {  	_ =	shalt  }
0x61: {  	_ =	shalt  }
0x62: {  	_ =	shalt  }
0x63: {  	_ =	shalt  }
0x64: {  	_ =	shalt  }
0x65: {  	_ =	shalt  }
0x66: {  	_ =	shalt  }
0x67: {  	_ =	shalt  }
0x68: {  	_ =	shalt  }
0x69: {  	_ =	shalt  }
0x6a: {  	_ =	shalt  }
0x6b: {  	_ =	shalt  }
0x6c: {  	_ =	shalt  }
0x6d: {  	_ =	shalt  }
0x6e: {  	_ =	shalt  }
0x6f: {  	_ =	shalt  }
0x70: {  	_ =	shalt  }
0x71: {  	_ =	shalt  }
0x72: {  	_ =	shalt  }
0x73: {  	_ =	shalt  }
0x74: {  	_ =	shalt  }
0x75: {  	_ =	shalt  }
0x76: {  	_ =	shalt  }
0x77: {  	_ =	shalt  }
0x78: {  	_ =	shalt  }
0x79: {  	_ =	shalt  }
0x7a: {  	_ =	shalt  }
0x7b: {  	_ =	shalt  }
0x7c: {  	_ =	shalt  }
0x7d: {  	_ =	shalt  }
0x7e: {  	_ =	shalt  }
0x7f: {  	_ =	shalt  }
0x80: {  	_ =	shalt  }
0x81: {  	_ =	shalt  }
0x82: {  	_ =	shalt  }
0x83: {  	_ =	shalt  }
0x84: {  	_ =	shalt  }
0x85: {  	_ =	shalt  }
0x86: {  	_ =	shalt  }
0x87: {  	_ =	shalt  }
.Lfunc_end0:
.L_simem_size_0:
called_computation_lowered:
.L_overlay_start_0:
0x88: {  	s2 =	sld [smem:$0x3FD9]  }
0x89: {  	s3 =	sld [smem:$0x3FFE];
	_ =	sdelay $0x1  }
0x8a: {  	s1 =	srdreg.scid  }
0x8b: {  	s0 =	sand.u32 $0x1, s1  }
0x8c: {  	s16 =	sshll.u32 s0, $0xA;
	s2 =	sadd.s32 s3, s2  }
0x8d: {  	s2 =	sadd.s32 s2, s16  }
0x8e: {  	[smem:$0x3FBC] =	sst s2  }
0x8f: {  	_ = 	snop  }
0x90: {  	(tm) =	ssettm $0x1  }
0x91: {  	s17 =	sld [smem:$0x3FFB];
	_ =	sdelay $0x3  }
0x92: {  	_ =	strace s17  }
0x93: {  	s2 =	sld [smem:$0x3FFC];
	_ =	sdelay $0x3  }
0x94: {  	_ =	strace s2  }
0x95: {  	s2 =	sld [smem:$0x3FFD];
	_ =	sdelay $0x3  }
0x96: {  	_ =	strace s2  }
0x97: {  	_ =	strace $0x8FFFFFFF  }
0x98: {  	s18 =	sld [smem:$0x3FDB];
	_ =	sdelay $0x1  }
0x99: {  	s19 =	simm.s32 $_scs_section_size  }
0x9a: {  	s4 =	simm.s32 $_size__tile_overlayer_lowered;
	s5 =	simm.s32 $_tile_overlayer_lowered  }
0x9b: {  	s22 =	simm.s32 $0x1BFF;
	s21 =	sshll.u32 s5, $0x1;
	s2 =	sadd.s32 s19, s18  }
0x9c: {  	s6 =	simm.s32 $0x0;
	s20 =	sshll.u32 s4, $0x1;
	s4 =	sadd.s32 s21, s2  }
0x9d: {  	[timem:s6], [sflag:s22] =	dma.local [hbm:s4], s20  }
0x9e: {  	_ =	swait.ge [sflag:s22], s20  }
0x9f: {  	s3 =	ssub.s32 $0x0, s20;
	[sflag:s22] =	ssyncset.done $0x0  }
0xa0: {  	[sflag:s22] =	ssyncadd.s32 s3;
	_ =	sdelay $0x1  }
0xa1: {  	s23 =	simm.s32 $0x1B8B  }
0xa2: {  	_ =	swait.ge [sflag:s23], $0x1  }
0xa3: {  	[sflag:s23] =	ssyncset.done $0x0  }
0xa4: {  	s25 =	simm.s32 $0x1B8E;
	s24 =	sld [smem:$0x3FFE];
	[sflag:s23] =	ssyncadd.s32 $0xFFFFFFFF  }
0xa5: {  	s26 =	simm.s32 $execute0_lowered;
	[smem:$0x3FD2] =	sst s25  }
0xa6: {  	s4 =	sshll.u32 s26, $0x1;
	_ =	strace $0x80000046;
	[dreg:$0x1] =	wrdreg $0xFFFFFFFF  }
0xa7: {  	s28 =	simm.s32 $_size_execute0_lowered;
	s2 =	sadd.s32 s2, s4;
	[dreg:$0x0] =	wrdreg $0x0  }
0xa8: {  	s4 =	sshll.u32 s28, $0x1;
	[dreg:$0x2] =	wrdreg s2  }
0xa9: {  	[dreg:$0x3] =	wrdreg s4  }
0xaa: {  	[dreg:$0x4] =	wrdreg $0xC0  }
0xab: {  	_ =	task [dreg:s6], $0x5FFFF  }
0xac: {  	[dreg:$0x1] =	wrdreg $0xFFFFFFFF  }
0xad: {  	[dreg:$0x0] =	wrdreg $0x60  }
0xae: {  	[dreg:$0x2] =	wrdreg s24  }
0xaf: {  	[dreg:$0x3] =	wrdreg $0xA  }
0xb0: {  	_ =	task.clear_ibuf [dreg:s6], $0x4FFFF;
	_ =	strace $0x90000046  }
0xb1: {  	s29 =	simm.s32 $0xA;
	_ =	strace $0x80000048  }
0xb2: {  	_ =	swait.ge [sflag:s29], $0x1  }
0xb3: {  	[sflag:s29] =	ssyncadd.s32 $0xFFFFFFFF  }
0xb4: {  	_ =	strace $0x90000048  }
0xb5: {  	_ =	sfence  }
0xb6: {  	s30 =	sld [smem:$0x0];
	_ =	sdelay $0x2  }
0xb7: {  	s31 =	sshll.u32 s1, $0xD;
	s1 =	sshrl.u32 s1, $0x2  }
0xb8: {  	s3 =	sand.u32 $0x4000, s31;
	s1 =	sadd.s32 s1, s30  }
0xb9: {  	s0 =	sor.u32 s3, s0;
	s1 =	sshll.u32 s1, $0x11  }
0xba: {  	s0 =	sor.u32 s1, s0  }
0xbb: {  	s0 =	sadd.s32 $0x8F2B, s0  }
0xbc: {  	[sflag:s0] =	ssyncadd.remote.s32 $0x1  }
0xbd: {  	_ =	sfence.sel $0xFFFF  }
0xbe: {  	[dreg:$0x0] =	wrdreg $0xFFFFFFFF;
	(pc) =	sbr.abs _section_cstart, $3  }
0xbf: {  	[dreg:$0x1] =	wrdreg $0xFFFFFFFF  }
0xc0: {  	_ =	task.clear_ibuf [dreg:s6], $0x2FFFF;
	_ =	strace $0x9FFFFFFF  }
0xc1: {  	(tm) =	ssettm $0x7FFFFFFF  }
tec
execute0_lowered:
.L_overlay_start_1:
0x0: {  	(tag) =	ssettag $0x1  }
0x1: {  	s3 =	rddreg [dreg:$0x0]  }
0x2: {  	s0 =	rddreg [dreg:$0x1]  }
0x3: {  	s4 =	srdreg.scid;
	s1 =	stileid.u32;
	s2 =	simm.s32 $0x0  }
0x4: {  	s10 =	simm.s32 $0x800;
	s11 =	simm.s32 $0x1000;
	s5 =	smul.u32 $0x19000, s1  }
0x5: {  	s12 =	simm.s32 $0x9000;
	s4 =	sand.u32 $0x1, s4;
	s7 =	smul.u32 $0x32000, s1  }
0x6: {  	s13 =	simm.s32 $0x1;
	s14 =	simm.s32 $0x0;
	s6 =	smul.u32 $0xC800, s4  }
0x7: {  	[smem:$0x7FF] =	sst s2;
	s29 =	ssub.s32 $0x2, s4;
	s4 =	smul.u32 $0x19000, s4  }
0x8: {  	_ =	strace $0x80000047;
	s7 =	sadd.s32 s7, s3;
	s8 =	sshrl.u32 s29, $0x1  }
0x9: {  	s5 =	sadd.s32 s6, s5;
	s30 =	ssub.s32 s29, s8;
	s31 =	sadd.s32 s4, s7  }
0xa: {  	s5 =	sshrl.u32 s5, $0x3;
	s4 =	smax.u32 s30, $0x1;
	s6 =	sadd.s32 $0x21EA00, s31  }
0xb: {  	s9 =	sadd.s32 s5, s3;
	s3 =	sadd.s32 $0x1EDC00, s3;
	s5 =	sadd.s32 $0x53EA00, s31  }
0xc: {  	s7 =	sadd.s32 $0x3200, s9;
	s8 =	sadd.s32 $0x67200, s9;
	s9 =	simm.s32 $0x2  }
.LBB2_1:
0xd: {  	s15 =	sadd.s32 $0x0, s8  }
0xe: {  	[tilespmem:s2], [sflag:$0x2] =	stream.linear.gather [hbm4b:s15+s2], $0x800, $0x38;
	[tilespmem:$0x11000] =	vst v63  }
0xf: {  	_ =	swait.ge [sflag:s9], $0x800  }
0x10: {  	[sflag:s9] =	ssyncset.done $0x0  }
0x11: {  	s31 =	sadd.s32 $0x0, s7;
	[sflag:s9] =	ssyncadd.s32 $0xFFFFF800  }
0x12: {  	[tilespmem:s10], [sflag:$0x2] =	stream.linear.gather [hbm4b:s31+s2], $0x800, $0x38;
	[tilespmem:$0x11000] =	vst v63  }
0x13: {  	_ =	swait.ge [sflag:s9], $0x800  }
0x14: {  	[sflag:s9] =	ssyncset.done $0x0  }
0x15: {  	[sflag:s9] =	ssyncadd.s32 $0xFFFFF800  }
0x16: {  	[tilespmem:s11], [sflag:$0x1] =	stream.indirect.gather [hbm4b:s3+s10], $0x10, s2, s10, $0xb8;
	[tilespmem:$0x11000] =	vst v63  }
0x17: {  	_ = 	snop  }
0x18: {  	[tilespmem:s12], [sflag:$0x1] =	stream.indirect.gather [hbm4b:s3+s10], $0x10, s10, s10, $0xb8;
	[tilespmem:$0x11000] =	vst v63  }
0x19: {  	_ =	swait.ge [sflag:s13], $0x8000  }
0x1a: {  	[sflag:s13] =	ssyncset.done $0x0  }
0x1b: {  	[sflag:s13] =	ssyncadd.s32 $0xFFFF8000  }
0x1c: {  	_ =	swait.ge [sflag:s13], $0x8000  }
0x1d: {  	[sflag:s13] =	ssyncset.done $0x0  }
0x1e: {  	[sflag:s13] =	ssyncadd.s32 $0xFFFF8000  }
0x1f: {  	[hbm4b:s6+s2] =	stream.linear.scatter [tilespmem:s11], [sflag:$0x2], $0x8000, $0x38;
	[tilespmem:$0x11000] =	vst v63  }
0x20: {  	_ =	swait.ge [sflag:s9], $0x8000  }
0x21: {  	[sflag:s9] =	ssyncset.done $0x0  }
0x22: {  	[sflag:s9] =	ssyncadd.s32 $0xFFFF8000  }
0x23: {  	[hbm4b:s5+s2] =	stream.linear.scatter [tilespmem:s12], [sflag:$0x2], $0x8000, $0x38;
	[tilespmem:$0x11000] =	vst v63  }
0x24: {  	s17 =	simm.s32 $0x100;
	s18 =	simm.s32 $0x200;
	_ =	swait.ge [sflag:s9], $0x8000  }
0x25: {  	s16 =	sadd.s32 $0x1000, s6;
	s15 =	sadd.s32 $0x1000, s5;
	[sflag:s9] =	ssyncset.done $0x0  }
.LBB2_2:
0x26: {  	s19 =	sadd.s32 s17, s8  }
0x27: {  	[sflag:s9] =	ssyncadd.s32 $0xFFFF8000;
	s20 =	smov.u32 s18;
	s21 =	sadd.s32 $0x100, s18  }
0x28: {  	[tilespmem:s2], [sflag:$0x2] =	stream.linear.gather [hbm4b:s19+s2], $0x800, $0x38;
	[tilespmem:$0x11000] =	vst v63  }
0x29: {  	p0 =	sne.s32 s18, $0x1800;
	_ =	swait.ge [sflag:s9], $0x800  }
0x2a: {  	[sflag:s9] =	ssyncset.done $0x0  }
0x2b: {  	s18 =	sadd.s32 s17, s7;
	s17 =	smov.u32 s20;
	[sflag:s9] =	ssyncadd.s32 $0xFFFFF800  }
0x2c: {  	[tilespmem:s10], [sflag:$0x2] =	stream.linear.gather [hbm4b:s18+s2], $0x800, $0x38;
	[tilespmem:$0x11000] =	vst v63  }
0x2d: {  	_ =	swait.ge [sflag:s9], $0x800  }
0x2e: {  	[sflag:s9] =	ssyncset.done $0x0  }
0x2f: {  	[sflag:s9] =	ssyncadd.s32 $0xFFFFF800  }
0x30: {  	[tilespmem:s11], [sflag:$0x1] =	stream.indirect.gather [hbm4b:s3+s10], $0x10, s2, s10, $0xb8;
	[tilespmem:$0x11000] =	vst v63  }
0x31: {  	_ = 	snop  }
0x32: {  	[tilespmem:s12], [sflag:$0x1] =	stream.indirect.gather [hbm4b:s3+s10], $0x10, s10, s10, $0xb8;
	[tilespmem:$0x11000] =	vst v63  }
0x33: {  	_ =	swait.ge [sflag:s13], $0x8000  }
0x34: {  	[sflag:s13] =	ssyncset.done $0x0  }
0x35: {  	[sflag:s13] =	ssyncadd.s32 $0xFFFF8000  }
0x36: {  	_ =	swait.ge [sflag:s13], $0x8000  }
0x37: {  	[sflag:s13] =	ssyncset.done $0x0  }
0x38: {  	[sflag:s13] =	ssyncadd.s32 $0xFFFF8000  }
0x39: {  	[hbm4b:s16+s2] =	stream.linear.scatter [tilespmem:s11], [sflag:$0x2], $0x8000, $0x38;
	[tilespmem:$0x11000] =	vst v63  }
0x3a: {  	_ =	swait.ge [sflag:s9], $0x8000  }
.Ltmp0:
0x3b: {  	[sflag:s9] =	ssyncset.done $0x0;
	(pc) =	sbr.rel @p0 .LBB2_2-.Ltmp0, $4  }
0x3c: {  	[sflag:s9] =	ssyncadd.s32 $0xFFFF8000  }
0x3d: {  	[hbm4b:s15+s2] =	stream.linear.scatter [tilespmem:s12], [sflag:$0x2], $0x8000, $0x38;
	[tilespmem:$0x11000] =	vst v63  }
0x3e: {  	s18 =	smov.u32 s21;
	_ =	swait.ge [sflag:s9], $0x8000  }
0x3f: {  	s16 =	sadd.s32 $0x1000, s16;
	s15 =	sadd.s32 $0x1000, s15;
	[sflag:s9] =	ssyncset.done $0x0  }
0x40: {  	s18 =	sadd.s32 s17, s8;
	[sflag:s9] =	ssyncadd.s32 $0xFFFF8000  }
0x41: {  	[tilespmem:s2], [sflag:$0x2] =	stream.linear.gather [hbm4b:s18+s2], $0x800, $0x38;
	[tilespmem:$0x11000] =	vst v63  }
0x42: {  	_ =	swait.ge [sflag:s9], $0x800  }
0x43: {  	[sflag:s9] =	ssyncset.done $0x0  }
0x44: {  	s31 =	sadd.s32 s17, s7;
	[sflag:s9] =	ssyncadd.s32 $0xFFFFF800  }
0x45: {  	[tilespmem:s10], [sflag:$0x2] =	stream.linear.gather [hbm4b:s31+s2], $0x800, $0x38;
	[tilespmem:$0x11000] =	vst v63  }
0x46: {  	_ =	swait.ge [sflag:s9], $0x800  }
0x47: {  	[sflag:s9] =	ssyncset.done $0x0  }
0x48: {  	[sflag:s9] =	ssyncadd.s32 $0xFFFFF800  }
0x49: {  	[tilespmem:s11], [sflag:$0x1] =	stream.indirect.gather [hbm4b:s3+s10], $0x10, s2, s10, $0xb8;
	[tilespmem:$0x11000] =	vst v63  }
0x4a: {  	_ = 	snop  }
0x4b: {  	[tilespmem:s12], [sflag:$0x1] =	stream.indirect.gather [hbm4b:s3+s10], $0x10, s10, s10, $0xb8;
	[tilespmem:$0x11000] =	vst v63  }
0x4c: {  	_ =	swait.ge [sflag:s13], $0x8000  }
0x4d: {  	[sflag:s13] =	ssyncset.done $0x0  }
0x4e: {  	[sflag:s13] =	ssyncadd.s32 $0xFFFF8000  }
0x4f: {  	_ =	swait.ge [sflag:s13], $0x8000  }
0x50: {  	[sflag:s13] =	ssyncset.done $0x0  }
0x51: {  	[sflag:s13] =	ssyncadd.s32 $0xFFFF8000  }
0x52: {  	[hbm4b:s16+s2] =	stream.linear.scatter [tilespmem:s11], [sflag:$0x2], $0x8000, $0x38;
	[tilespmem:$0x11000] =	vst v63  }
0x53: {  	s14 =	sadd.s32 $0x1, s14;
	_ =	swait.ge [sflag:s9], $0x8000  }
0x54: {  	p0 =	sne.s32 s14, s4;
	[sflag:s9] =	ssyncset.done $0x0  }
.Ltmp1:
0x55: {  	[sflag:s9] =	ssyncadd.s32 $0xFFFF8000;
	(pc) =	sbr.rel @p0 .LBB2_1-.Ltmp1, $4  }
0x56: {  	[hbm4b:s15+s2] =	stream.linear.scatter [tilespmem:s12], [sflag:$0x2], $0x8000, $0x38;
	[tilespmem:$0x11000] =	vst v63  }
0x57: {  	_ =	swait.ge [sflag:s9], $0x8000  }
0x58: {  	[sflag:s9] =	ssyncset.done $0x0  }
0x59: {  	[sflag:s9] =	ssyncadd.s32 $0xFFFF8000  }
0x5a: {  	_ =	sfence.sel $0x180000  }
0x5b: {  	[bflag:$0x0] =	sbarrier.arrive $0xFFFF  }
0x5c: {  	p0 =	sne.s32 s1, $0x0;
	_ =	strace $0x90000047  }
0x5d: {  	s0 =	sadd.s32 @!p0 $0x100000, s0;
	[bflag:$0x2] =	sbarrier.arrive $0xFFFF  }
0x5e: {  	[sflag:s0] =	ssyncadd.tile.s32 @!p0 $0x1;
	_ =	shalt  }
.Lfunc_end2:
_tile_overlayer_lowered:
.L_overlay_start_2:
0x5f: {  	(tag) =	ssettag $0x2  }
0x60: {  	s0 =	rddreg [dreg:$0x0];
	s2 =	stileid.u32  }
0x61: {  	s1 =	rddreg [dreg:$0x1];
	p0 =	sne.s32 s2, $0x0  }
0x62: {  	s3 =	rddreg [dreg:$0x2];
	[bflag:$0x3] =	sbarrier.arrive $0xFFFF;
	s2 =	simm.s32 @!p0 $0x1C02  }
0x63: {  	[timem:s3], [sflag:s2] =	dma.local @!p0 [hbm:s0], s1  }
0x64: {  	s0 =	simm.s32 @!p0 $0x2  }
0x65: {  	_ =	swait.ge @!p0 [sflag:s0], s1  }
0x66: {  	s1 =	ssub.s32 @!p0 $0x0, s1;
	[sflag:s0] =	ssyncset.done @!p0 $0x0  }
0x67: {  	[sflag:s0] =	ssyncadd.s32 @!p0 s1  }
0x68: {  	[bflag:$0x3] =	sbarrier.arrive $0xFFFF  }
0x69: {  	_ =	shalt  }

</sc_bundles>
